<compile_context>
chip_gen: v7x
topology: tpu7x:2x2x1
jax: 0.10.2.dev20260603
libtpu: 0.0.44.dev20260713+nightly
codegen_flags: <defaults>
</compile_context>

<pallas_src>
import functools

import jax
import jax.numpy as jnp
from jax import lax
from jax.experimental import pallas as pl
from jax.experimental.pallas import tpu as pltpu
from jax.experimental.pallas import tpu_sc as plsc

N = 320000
D = 128
S = 1024
NC = 2
NS = 16
NW = NC * NS
SB = 128
LCHUNK = 256
RPT = 10240
RPT_LAST = N - (NW - 1) * RPT
NCH_FULL = RPT // LCHUNK
NCH_LAST = RPT_LAST // LCHUNK
IDR = RPT // SB
IDROWS_PAD = NW * IDR
NBUF = 2
SEG_PER_TILE = S // NS


def _sc_segment_sum(x_hbm, ids_hbm, psum_hbm, xbuf, idxbuf, obuf, acc,
                    xsem, ssem):
  cid = lax.axis_index("c")
  sid = lax.axis_index("s")
  wid = cid * NS + sid
  tile_base = wid * RPT
  nch = jnp.where(wid == NW - 1, NCH_LAST, NCH_FULL)

  def x_desc(c, b):
    return pltpu.make_async_copy(
        x_hbm.at[pl.ds(tile_base + c * LCHUNK, LCHUNK)], xbuf.at[b],
        xsem.at[b])

  def s_descs(c, b):
    return [
        pltpu.make_async_copy(
            xbuf.at[b, pl.ds(j * SB, SB)],
            acc.at[idxbuf.at[c * (LCHUNK // SB) + j]], ssem.at[b])
        for j in range(LCHUNK // SB)
    ]

  pltpu.sync_copy(ids_hbm.at[pl.ds(wid * IDR, IDR)], idxbuf)

  @pl.loop(0, SEG_PER_TILE)
  def _(i):
    for j in range(D // 16):
      obuf[i, pl.ds(j * 16, 16)] = jnp.zeros((16,), jnp.float32)

  pltpu.sync_copy(obuf, acc.at[pl.ds(sid * SEG_PER_TILE, SEG_PER_TILE)])
  plsc.subcore_barrier()

  x_desc(0, 0).start()

  @pl.loop(0, nch, step=NBUF)
  def _(i):
    for b in range(NBUF):
      c = i + b
      nxt = c + 1
      nb = (b + 1) % NBUF

      @pl.when(c < nch)
      def _():
        @pl.when(nxt < nch)
        def _():
          @pl.when(c >= 1)
          def _():
            for d in s_descs(c - 1, nb):
              d.wait()
          x_desc(nxt, nb).start()

        x_desc(c, b).wait()
        for j in range(LCHUNK // SB):
          pltpu.async_copy(
              xbuf.at[b, pl.ds(j * SB, SB)],
              acc.at[idxbuf.at[c * (LCHUNK // SB) + j]], ssem.at[b],
              add=True)

  for d in s_descs(nch - 2, 0):
    d.wait()
  for d in s_descs(nch - 1, 1):
    d.wait()

  plsc.subcore_barrier()

  seg0 = sid * SEG_PER_TILE
  pltpu.sync_copy(acc.at[pl.ds(seg0, SEG_PER_TILE)], obuf)
  pltpu.sync_copy(obuf, psum_hbm.at[cid, pl.ds(seg0, SEG_PER_TILE)])


_sc_call = functools.partial(
    pl.kernel,
    out_type=jax.ShapeDtypeStruct((NC, S, D), jnp.float32),
    mesh=plsc.VectorSubcoreMesh(core_axis_name="c", subcore_axis_name="s"),
    scratch_types=[
        pltpu.VMEM((NBUF, LCHUNK, D), jnp.float32),
        pltpu.VMEM((IDR, SB), jnp.int32),
        pltpu.VMEM((SEG_PER_TILE, D), jnp.float32),
        pltpu.VMEM_SHARED((S, D), jnp.float32),
        pltpu.SemaphoreType.DMA((NBUF,)),
        pltpu.SemaphoreType.DMA((NBUF,)),
    ],
)(_sc_segment_sum)


def _mm_body(psum_ref, w_ref, b_ref, out_ref):
  pooled = psum_ref[0] + psum_ref[1]
  out_ref[...] = lax.dot_general(
      pooled, w_ref[...], (((1,), (1,)), ((), ())),
      preferred_element_type=jnp.float32) + b_ref[...]


_mm_call = pl.pallas_call(
    _mm_body,
    out_shape=jax.ShapeDtypeStruct((S, D), jnp.float32),
)


def kernel(x, batch, W, b):
  ids = batch.astype(jnp.int32).reshape(N // SB, SB)
  ids = jnp.pad(ids, ((0, IDROWS_PAD - N // SB), (0, 0)))
  psum = _sc_call(x, ids)
  return _mm_call(psum, W, b.reshape(1, D))

# --- scband reference (transcript-rebuilt; emitter-appended) ---
"""Pipeline reference for scband-out-mod-9457517986236 (READ-ONLY COPY).

The authoritative reference and input builder live on the scoring server;
editing this copy changes nothing except your own understanding.
"""

import jax, jax.numpy as jnp
import numpy as np

N = 320000
D = 128
OUT = 128
NUM_SEGMENTS = 1024

def setup_inputs(seed: int = 0) -> dict:
    key = jax.random.key(seed)
    k1, k2, k3 = jax.random.split(key, 3)
    x = jax.random.normal(k1, (N, D), dtype=jnp.float32)
    batch = jnp.sort(jax.random.randint(k2, (N,), 0, NUM_SEGMENTS, dtype=jnp.int64))
    # Linear(hid_dim=128, out_dim=128) parameters: W [out, in], b [out]
    W = jax.random.normal(k3, (OUT, D), dtype=jnp.float32) * (1.0 / np.sqrt(D))
    b = jnp.zeros((OUT,), dtype=jnp.float32)
    return {"x": x, "batch": batch, "W": W, "b": b}

def reference(x, batch, W, b):
    # global_add_pool: segment-sum of node features by graph id
    pooled = jax.ops.segment_sum(x, batch, num_segments=NUM_SEGMENTS)
    # mlp: Linear
    return pooled @ W.T + b

if __name__ == "__main__":
    import jax
    _d = setup_inputs()
    print(jax.jit(kernel)(*tuple(_d.values())))

</pallas_src>

<mosaic_0001>
#map = affine_map<(d0, d1) -> (0, 0)>
#map1 = affine_map<(d0, d1) -> (0, 0, 0)>
module attributes {stable_mosaic.version = 14 : i64} {
  func.func @_sc_segment_sum(%arg0: i32, %arg1: i32, %arg2: memref<320000x128xf32, #tpu.memory_space<hbm>>, %arg3: memref<2560x128xi32, #tpu.memory_space<hbm>>, %arg4: memref<2x1024x128xf32, #tpu.memory_space<hbm>>, %arg5: memref<2x256x128xf32, #tpu.memory_space<vmem>>, %arg6: memref<80x128xi32, #tpu.memory_space<vmem>>, %arg7: memref<64x128xf32, #tpu.memory_space<vmem>>, %arg8: memref<1024x128xf32, #tpu.memory_space<vmem_shared>>, %arg9: memref<2x!tpu.dma_semaphore, #tpu.memory_space<semaphore_mem>>, %arg10: memref<2x!tpu.dma_semaphore, #tpu.memory_space<semaphore_mem>>) attributes {dimension_semantics = [#tpu.dimension_semantics<core_parallel>, #tpu.dimension_semantics<subcore_parallel>], iteration_bounds = array<i64: 2, 16>, scalar_prefetch = 0 : i64, scratch_operands = 6 : i64, tpu.core_type = #tpu.core_type<sc_vector_subcore>, window_params = [{transform_indices = #map}, {transform_indices = #map}, {transform_indices = #map1}]} {
    %mul3A = arith.constant 16 : i32
    %mul3A_0 = arith.muli %arg0, %mul3A : i32
    %add3A = arith.addi %mul3A_0, %arg1 : i32
    %mul3A_1 = arith.constant 10240 : i32
    %mul3A_2 = arith.muli %add3A, %mul3A_1 : i32
    %eq3A = arith.constant 31 : i32
    %eq3A_3 = arith.cmpi eq, %add3A, %eq3A : i32
    %jit3A = arith.constant 10 : i32
    %jit3A_4 = arith.constant 40 : i32
    %select_n3A = arith.select %eq3A_3, %jit3A, %jit3A_4 : i32
    %mul3A_5 = arith.constant 80 : i32
    %mul3A_6 = arith.muli %add3A, %mul3A_5 : i32
    "tpu.region"() ({
      %run_scoped3A = tpu.sem_alloc : memref<!tpu.dma_semaphore, #tpu.memory_space<semaphore_mem>>
      %dma_start3A_124 = arith.constant 0 : i32
      %dma_start3A_125 = tpu.memref_slice %arg3[%mul3A_6, %dma_start3A_124] : memref<2560x128xi32, #tpu.memory_space<hbm>> -> memref<80x128xi32, #tpu.memory_space<hbm>>
      %dma_start3A_126 = arith.constant 0 : i32
      %dma_start3A_127 = tpu.memref_slice %arg3[%mul3A_6, %dma_start3A_126] : memref<2560x128xi32, #tpu.memory_space<hbm>> -> memref<80x128xi32, #tpu.memory_space<hbm>>
      tpu.enqueue_dma source(%dma_start3A_127 : memref<80x128xi32, #tpu.memory_space<hbm>>) target(%arg6 : memref<80x128xi32, #tpu.memory_space<vmem>>) target_semaphore(%run_scoped3A : memref<!tpu.dma_semaphore, #tpu.memory_space<semaphore_mem>>)
      %dma_wait3A_128 = arith.constant 0 : i32
      %dma_wait3A_129 = tpu.memref_slice %arg3[%mul3A_6, %dma_wait3A_128] : memref<2560x128xi32, #tpu.memory_space<hbm>> -> memref<80x128xi32, #tpu.memory_space<hbm>>
      %dma_wait3A_130 = arith.constant 0 : i32
      %dma_wait3A_131 = tpu.memref_slice %arg3[%mul3A_6, %dma_wait3A_130] : memref<2560x128xi32, #tpu.memory_space<hbm>> -> memref<80x128xi32, #tpu.memory_space<hbm>>
      tpu.wait_dma2 semaphore(%run_scoped3A : memref<!tpu.dma_semaphore, #tpu.memory_space<semaphore_mem>>) src(%dma_wait3A_131 : memref<80x128xi32, #tpu.memory_space<hbm>>) dst(%arg6 : memref<80x128xi32, #tpu.memory_space<vmem>>)
      tpu.yield
    }) : () -> ()
    %scan3A = arith.constant 0 : i32
    %scan3A_7 = arith.constant 64 : i32
    %scan3A_8 = arith.addi %scan3A, %scan3A_7 : i32
    %scan3A_9 = arith.constant 1 : i32
    scf.for %scan3A_124 = %scan3A to %scan3A_8 step %scan3A_9  : i32 {
      %mul3A_125 = arith.constant 1 : i32
      %mul3A_126 = arith.muli %scan3A_124, %mul3A_125 : i32
      %add3A_127 = arith.constant 0 : i32
      %add3A_128 = arith.addi %add3A_127, %mul3A_126 : i32
      %broadcast_in_dim3A = arith.constant 0.000000e+00 : f32
      %broadcast_in_dim3A_129 = vector.broadcast %broadcast_in_dim3A : f32 to vector<16xf32>
      %swap3A = arith.index_cast %add3A_128 : i32 to index
      %swap3A_130 = arith.constant 0 : index
      %swap3A_131 = tpu.vector_load %arg7[%swap3A, %swap3A_130] {strides = array<i32>} : memref<64x128xf32, #tpu.memory_space<vmem>>, vector<1x16xf32>,
      %swap3A_132 = vector.shape_cast %swap3A_131 : vector<1x16xf32> to vector<16xf32>
      %swap3A_133 = vector.shape_cast %broadcast_in_dim3A_129 : vector<16xf32> to vector<1x16xf32>
      tpu.vector_store %arg7[%swap3A, %swap3A_130], %swap3A_133 {strides = array<i32>} : memref<64x128xf32, #tpu.memory_space<vmem>>, vector<1x16xf32>,
      %broadcast_in_dim3A_134 = arith.constant 0.000000e+00 : f32
      %broadcast_in_dim3A_135 = vector.broadcast %broadcast_in_dim3A_134 : f32 to vector<16xf32>
      %swap3A_136 = arith.index_cast %add3A_128 : i32 to index
      %swap3A_137 = arith.constant 16 : index
      %swap3A_138 = tpu.vector_load %arg7[%swap3A_136, %swap3A_137] {strides = array<i32>} : memref<64x128xf32, #tpu.memory_space<vmem>>, vector<1x16xf32>,
      %swap3A_139 = vector.shape_cast %swap3A_138 : vector<1x16xf32> to vector<16xf32>
      %swap3A_140 = vector.shape_cast %broadcast_in_dim3A_135 : vector<16xf32> to vector<1x16xf32>
      tpu.vector_store %arg7[%swap3A_136, %swap3A_137], %swap3A_140 {strides = array<i32>} : memref<64x128xf32, #tpu.memory_space<vmem>>, vector<1x16xf32>,
      %broadcast_in_dim3A_141 = arith.constant 0.000000e+00 : f32
      %broadcast_in_dim3A_142 = vector.broadcast %broadcast_in_dim3A_141 : f32 to vector<16xf32>
      %swap3A_143 = arith.index_cast %add3A_128 : i32 to index
      %swap3A_144 = arith.constant 32 : index
      %swap3A_145 = tpu.vector_load %arg7[%swap3A_143, %swap3A_144] {strides = array<i32>} : memref<64x128xf32, #tpu.memory_space<vmem>>, vector<1x16xf32>,
      %swap3A_146 = vector.shape_cast %swap3A_145 : vector<1x16xf32> to vector<16xf32>
      %swap3A_147 = vector.shape_cast %broadcast_in_dim3A_142 : vector<16xf32> to vector<1x16xf32>
      tpu.vector_store %arg7[%swap3A_143, %swap3A_144], %swap3A_147 {strides = array<i32>} : memref<64x128xf32, #tpu.memory_space<vmem>>, vector<1x16xf32>,
      %broadcast_in_dim3A_148 = arith.constant 0.000000e+00 : f32
      %broadcast_in_dim3A_149 = vector.broadcast %broadcast_in_dim3A_148 : f32 to vector<16xf32>
      %swap3A_150 = arith.index_cast %add3A_128 : i32 to index
      %swap3A_151 = arith.constant 48 : index
      %swap3A_152 = tpu.vector_load %arg7[%swap3A_150, %swap3A_151] {strides = array<i32>} : memref<64x128xf32, #tpu.memory_space<vmem>>, vector<1x16xf32>,
      %swap3A_153 = vector.shape_cast %swap3A_152 : vector<1x16xf32> to vector<16xf32>
      %swap3A_154 = vector.shape_cast %broadcast_in_dim3A_149 : vector<16xf32> to vector<1x16xf32>
      tpu.vector_store %arg7[%swap3A_150, %swap3A_151], %swap3A_154 {strides = array<i32>} : memref<64x128xf32, #tpu.memory_space<vmem>>, vector<1x16xf32>,
      %broadcast_in_dim3A_155 = arith.constant 0.000000e+00 : f32
      %broadcast_in_dim3A_156 = vector.broadcast %broadcast_in_dim3A_155 : f32 to vector<16xf32>
      %swap3A_157 = arith.index_cast %add3A_128 : i32 to index
      %swap3A_158 = arith.constant 64 : index
      %swap3A_159 = tpu.vector_load %arg7[%swap3A_157, %swap3A_158] {strides = array<i32>} : memref<64x128xf32, #tpu.memory_space<vmem>>, vector<1x16xf32>,
      %swap3A_160 = vector.shape_cast %swap3A_159 : vector<1x16xf32> to vector<16xf32>
      %swap3A_161 = vector.shape_cast %broadcast_in_dim3A_156 : vector<16xf32> to vector<1x16xf32>
      tpu.vector_store %arg7[%swap3A_157, %swap3A_158], %swap3A_161 {strides = array<i32>} : memref<64x128xf32, #tpu.memory_space<vmem>>, vector<1x16xf32>,
      %broadcast_in_dim3A_162 = arith.constant 0.000000e+00 : f32
      %broadcast_in_dim3A_163 = vector.broadcast %broadcast_in_dim3A_162 : f32 to vector<16xf32>
      %swap3A_164 = arith.index_cast %add3A_128 : i32 to index
      %swap3A_165 = arith.constant 80 : index
      %swap3A_166 = tpu.vector_load %arg7[%swap3A_164, %swap3A_165] {strides = array<i32>} : memref<64x128xf32, #tpu.memory_space<vmem>>, vector<1x16xf32>,
      %swap3A_167 = vector.shape_cast %swap3A_166 : vector<1x16xf32> to vector<16xf32>
      %swap3A_168 = vector.shape_cast %broadcast_in_dim3A_163 : vector<16xf32> to vector<1x16xf32>
      tpu.vector_store %arg7[%swap3A_164, %swap3A_165], %swap3A_168 {strides = array<i32>} : memref<64x128xf32, #tpu.memory_space<vmem>>, vector<1x16xf32>,
      %broadcast_in_dim3A_169 = arith.constant 0.000000e+00 : f32
      %broadcast_in_dim3A_170 = vector.broadcast %broadcast_in_dim3A_169 : f32 to vector<16xf32>
      %swap3A_171 = arith.index_cast %add3A_128 : i32 to index
      %swap3A_172 = arith.constant 96 : index
      %swap3A_173 = tpu.vector_load %arg7[%swap3A_171, %swap3A_172] {strides = array<i32>} : memref<64x128xf32, #tpu.memory_space<vmem>>, vector<1x16xf32>,
      %swap3A_174 = vector.shape_cast %swap3A_173 : vector<1x16xf32> to vector<16xf32>
      %swap3A_175 = vector.shape_cast %broadcast_in_dim3A_170 : vector<16xf32> to vector<1x16xf32>
      tpu.vector_store %arg7[%swap3A_171, %swap3A_172], %swap3A_175 {strides = array<i32>} : memref<64x128xf32, #tpu.memory_space<vmem>>, vector<1x16xf32>,
      %broadcast_in_dim3A_176 = arith.constant 0.000000e+00 : f32
      %broadcast_in_dim3A_177 = vector.broadcast %broadcast_in_dim3A_176 : f32 to vector<16xf32>
      %swap3A_178 = arith.index_cast %add3A_128 : i32 to index
      %swap3A_179 = arith.constant 112 : index
      %swap3A_180 = tpu.vector_load %arg7[%swap3A_178, %swap3A_179] {strides = array<i32>} : memref<64x128xf32, #tpu.memory_space<vmem>>, vector<1x16xf32>,
      %swap3A_181 = vector.shape_cast %swap3A_180 : vector<1x16xf32> to vector<16xf32>
      %swap3A_182 = vector.shape_cast %broadcast_in_dim3A_177 : vector<16xf32> to vector<1x16xf32>
      tpu.vector_store %arg7[%swap3A_178, %swap3A_179], %swap3A_182 {strides = array<i32>} : memref<64x128xf32, #tpu.memory_space<vmem>>, vector<1x16xf32>,
    }
    %scan3A_10 = arith.constant 64 : i32
    %mul3A_11 = arith.constant 64 : i32
    %mul3A_12 = arith.muli %arg1, %mul3A_11 : i32
    "tpu.region"() ({
      %run_scoped3A = tpu.sem_alloc : memref<!tpu.dma_semaphore, #tpu.memory_space<semaphore_mem>>
      %dma_start3A_124 = arith.constant 0 : i32
      %dma_start3A_125 = tpu.memref_slice %arg8[%mul3A_12, %dma_start3A_124] : memref<1024x128xf32, #tpu.memory_space<vmem_shared>> -> memref<64x128xf32, #tpu.memory_space<vmem_shared>>
      %dma_start3A_126 = arith.constant 0 : i32
      %dma_start3A_127 = tpu.memref_slice %arg8[%mul3A_12, %dma_start3A_126] : memref<1024x128xf32, #tpu.memory_space<vmem_shared>> -> memref<64x128xf32, #tpu.memory_space<vmem_shared>>
      tpu.enqueue_dma source(%arg7 : memref<64x128xf32, #tpu.memory_space<vmem>>) target(%dma_start3A_127 : memref<64x128xf32, #tpu.memory_space<vmem_shared>>) target_semaphore(%run_scoped3A : memref<!tpu.dma_semaphore, #tpu.memory_space<semaphore_mem>>)
      %dma_wait3A_128 = arith.constant 0 : i32
      %dma_wait3A_129 = tpu.memref_slice %arg8[%mul3A_12, %dma_wait3A_128] : memref<1024x128xf32, #tpu.memory_space<vmem_shared>> -> memref<64x128xf32, #tpu.memory_space<vmem_shared>>
      %dma_wait3A_130 = arith.constant 0 : i32
      %dma_wait3A_131 = tpu.memref_slice %arg8[%mul3A_12, %dma_wait3A_130] : memref<1024x128xf32, #tpu.memory_space<vmem_shared>> -> memref<64x128xf32, #tpu.memory_space<vmem_shared>>
      tpu.wait_dma2 semaphore(%run_scoped3A : memref<!tpu.dma_semaphore, #tpu.memory_space<semaphore_mem>>) src(%arg7 : memref<64x128xf32, #tpu.memory_space<vmem>>) dst(%dma_wait3A_131 : memref<64x128xf32, #tpu.memory_space<vmem_shared>>)
      tpu.yield
    }) : () -> ()
    %barrier3A = arith.constant 0 : index
    tpu.barrier barrier_id(%barrier3A)
    %add3A_13 = arith.constant 0 : i32
    %add3A_14 = arith.addi %mul3A_2, %add3A_13 : i32
    %dma_start3A = arith.constant 0 : i32
    %dma_start3A_15 = arith.constant 0 : i32
    %dma_start3A_16 = arith.constant 0 : i32
    %dma_start3A_17 = arith.constant 0 : i32
    %dma_start3A_18 = tpu.memref_slice %arg5[%dma_start3A, %dma_start3A_16, %dma_start3A_17] : memref<2x256x128xf32, #tpu.memory_space<vmem>> -> memref<1x256x128xf32, #tpu.memory_space<vmem>>
    %dma_start3A_19 = tpu.memref_squeeze %dma_start3A_18 : memref<1x256x128xf32, #tpu.memory_space<vmem>> -> memref<256x128xf32, #tpu.memory_space<vmem>>
    %dma_start3A_20 = arith.constant 0 : i32
    %dma_start3A_21 = tpu.memref_slice %arg2[%add3A_14, %dma_start3A_20] : memref<320000x128xf32, #tpu.memory_space<hbm>> -> memref<256x128xf32, #tpu.memory_space<hbm>>
    %dma_start3A_22 = tpu.memref_slice %arg9[%dma_start3A_15] : memref<2x!tpu.dma_semaphore, #tpu.memory_space<semaphore_mem>> -> memref<1x!tpu.dma_semaphore, #tpu.memory_space<semaphore_mem>>
    %dma_start3A_23 = tpu.memref_squeeze %dma_start3A_22 : memref<1x!tpu.dma_semaphore, #tpu.memory_space<semaphore_mem>> -> memref<!tpu.dma_semaphore, #tpu.memory_space<semaphore_mem>>
    %dma_start3A_24 = arith.constant 0 : i32
    %dma_start3A_25 = arith.constant 0 : i32
    %dma_start3A_26 = tpu.memref_slice %arg5[%dma_start3A, %dma_start3A_24, %dma_start3A_25] : memref<2x256x128xf32, #tpu.memory_space<vmem>> -> memref<1x256x128xf32, #tpu.memory_space<vmem>>
    %dma_start3A_27 = tpu.memref_squeeze %dma_start3A_26 : memref<1x256x128xf32, #tpu.memory_space<vmem>> -> memref<256x128xf32, #tpu.memory_space<vmem>>
    %dma_start3A_28 = arith.constant 0 : i32
    %dma_start3A_29 = tpu.memref_slice %arg2[%add3A_14, %dma_start3A_28] : memref<320000x128xf32, #tpu.memory_space<hbm>> -> memref<256x128xf32, #tpu.memory_space<hbm>>
    tpu.enqueue_dma source(%dma_start3A_29 : memref<256x128xf32, #tpu.memory_space<hbm>>) target(%dma_start3A_27 : memref<256x128xf32, #tpu.memory_space<vmem>>) target_semaphore(%dma_start3A_23 : memref<!tpu.dma_semaphore, #tpu.memory_space<semaphore_mem>>)
    %sub3A = arith.constant 0 : i32
    %sub3A_30 = arith.subi %select_n3A, %sub3A : i32
    %sub3A_31 = arith.constant 2 : i32
    %sub3A_32 = arith.constant 1 : i32
    %sub3A_33 = arith.subi %sub3A_31, %sub3A_32 : i32
    %add3A_34 = arith.addi %sub3A_30, %sub3A_33 : i32
    %div3A = arith.constant 2 : i32
    %div3A_35 = arith.divsi %add3A_34, %div3A : i32
    %while3A = arith.constant 2 : i32
    %while3A_36 = arith.constant 0 : i32
    %while3A_37 = arith.constant 0 : i32
    %while3A_38 = arith.subi %div3A_35, %while3A_37 : i32
    %while3A_39 = arith.addi %while3A_37, %while3A_38 : i32
    %while3A_40 = arith.constant 1 : i32
    %while3A_41 = arith.divsi %while3A_38, %while3A_40 : i32
    %while3A_42 = arith.muli %while3A_41, %while3A_40 : i32
    %while3A_43 = arith.addi %while3A_37, %while3A_42 : i32
    %while3A_44 = arith.constant 1 : i32
    scf.for %while3A_124 = %while3A_37 to %while3A_43 step %while3A_44  : i32 {
      %mul3A_125 = arith.muli %while3A_124, %while3A : i32
      %add3A_126 = arith.addi %while3A_36, %mul3A_125 : i32
      %add3A_127 = arith.constant 0 : i32
      %add3A_128 = arith.addi %add3A_126, %add3A_127 : i32
      %add3A_129 = arith.constant 1 : i32
      %add3A_130 = arith.addi %add3A_128, %add3A_129 : i32
      %lt3A = arith.cmpi slt, %add3A_128, %select_n3A : i32
      %convert_element_type3A = arith.extui %lt3A : i1 to i32
      %cond3A = arith.constant 0 : i32
      %cond3A_131 = arith.cmpi ne, %convert_element_type3A, %cond3A : i32
      scf.if %cond3A_131 {
        %lt3A_140 = arith.cmpi slt, %add3A_130, %select_n3A : i32
        %convert_element_type3A_141 = arith.extui %lt3A_140 : i1 to i32
        %cond3A_142 = arith.constant 0 : i32
        %cond3A_143 = arith.cmpi ne, %convert_element_type3A_141, %cond3A_142 : i32
        scf.if %cond3A_143 {
          %ge3A = arith.constant 1 : i32
          %ge3A_199 = arith.cmpi sge, %add3A_128, %ge3A : i32
          %convert_element_type3A_200 = arith.extui %ge3A_199 : i1 to i32
          %cond3A_201 = arith.constant 0 : i32
          %cond3A_202 = arith.cmpi ne, %convert_element_type3A_200, %cond3A_201 : i32
          scf.if %cond3A_202 {
            %sub3A_222 = arith.constant 1 : i32
            %sub3A_223 = arith.subi %add3A_128, %sub3A_222 : i32
            %mul3A_224 = arith.constant 2 : i32
            %mul3A_225 = arith.muli %sub3A_223, %mul3A_224 : i32
            %add3A_226 = arith.constant 0 : i32
            %add3A_227 = arith.addi %mul3A_225, %add3A_226 : i32
            %mul3A_228 = arith.constant 2 : i32
            %mul3A_229 = arith.muli %sub3A_223, %mul3A_228 : i32
            %add3A_230 = arith.constant 1 : i32
            %add3A_231 = arith.addi %mul3A_229, %add3A_230 : i32
            %dma_wait3A_232 = arith.constant 1 : i32
            %dma_wait3A_233 = arith.constant 1 : i32
            %dma_wait3A_234 = arith.constant 0 : i32
            %dma_wait3A_235 = arith.constant 0 : i32
            %dma_wait3A_236 = tpu.memref_slice %arg5[%dma_wait3A_232, %dma_wait3A_234, %dma_wait3A_235] : memref<2x256x128xf32, #tpu.memory_space<vmem>> -> memref<1x128x128xf32, #tpu.memory_space<vmem>>
            %dma_wait3A_237 = tpu.memref_squeeze %dma_wait3A_236 : memref<1x128x128xf32, #tpu.memory_space<vmem>> -> memref<128x128xf32, #tpu.memory_space<vmem>>
            %dma_wait3A_238 = arith.constant 0 : i32
            %dma_wait3A_239 = tpu.memref_slice %arg6[%add3A_227, %dma_wait3A_238] : memref<80x128xi32, #tpu.memory_space<vmem>> -> memref<1x128xi32, #tpu.memory_space<vmem>>
            %dma_wait3A_240 = tpu.memref_squeeze %dma_wait3A_239 : memref<1x128xi32, #tpu.memory_space<vmem>> -> memref<128xi32, #tpu.memory_space<vmem>>
            %dma_wait3A_241 = arith.constant 0 : i32
            %dma_wait3A_242 = arith.constant 0 : i32
            %dma_wait3A_243 = tpu.memref_slice %arg8[%dma_wait3A_241, %dma_wait3A_242] : memref<1024x128xf32, #tpu.memory_space<vmem_shared>> -> memref<1024x128xf32, #tpu.memory_space<vmem_shared>>
            %dma_wait3A_244 = tpu.memref_slice %arg10[%dma_wait3A_233] : memref<2x!tpu.dma_semaphore, #tpu.memory_space<semaphore_mem>> -> memref<1x!tpu.dma_semaphore, #tpu.memory_space<semaphore_mem>>
            %dma_wait3A_245 = tpu.memref_squeeze %dma_wait3A_244 : memref<1x!tpu.dma_semaphore, #tpu.memory_space<semaphore_mem>> -> memref<!tpu.dma_semaphore, #tpu.memory_space<semaphore_mem>>
            tpu.wait_indirect_dma semaphore(%dma_wait3A_245 : memref<!tpu.dma_semaphore, #tpu.memory_space<semaphore_mem>>) src(%dma_wait3A_237 : memref<128x128xf32, #tpu.memory_space<vmem>>) dst(%dma_wait3A_243 : memref<1024x128xf32, #tpu.memory_space<vmem_shared>>)
            %dma_wait3A_246 = arith.constant 1 : i32
            %dma_wait3A_247 = arith.constant 1 : i32
            %dma_wait3A_248 = arith.constant 128 : i32
            %dma_wait3A_249 = arith.constant 0 : i32
            %dma_wait3A_250 = tpu.memref_slice %arg5[%dma_wait3A_246, %dma_wait3A_248, %dma_wait3A_249] : memref<2x256x128xf32, #tpu.memory_space<vmem>> -> memref<1x128x128xf32, #tpu.memory_space<vmem>>
            %dma_wait3A_251 = tpu.memref_squeeze %dma_wait3A_250 : memref<1x128x128xf32, #tpu.memory_space<vmem>> -> memref<128x128xf32, #tpu.memory_space<vmem>>
            %dma_wait3A_252 = arith.constant 0 : i32
            %dma_wait3A_253 = tpu.memref_slice %arg6[%add3A_231, %dma_wait3A_252] : memref<80x128xi32, #tpu.memory_space<vmem>> -> memref<1x128xi32, #tpu.memory_space<vmem>>
            %dma_wait3A_254 = tpu.memref_squeeze %dma_wait3A_253 : memref<1x128xi32, #tpu.memory_space<vmem>> -> memref<128xi32, #tpu.memory_space<vmem>>
            %dma_wait3A_255 = arith.constant 0 : i32
            %dma_wait3A_256 = arith.constant 0 : i32
            %dma_wait3A_257 = tpu.memref_slice %arg8[%dma_wait3A_255, %dma_wait3A_256] : memref<1024x128xf32, #tpu.memory_space<vmem_shared>> -> memref<1024x128xf32, #tpu.memory_space<vmem_shared>>
            %dma_wait3A_258 = tpu.memref_slice %arg10[%dma_wait3A_247] : memref<2x!tpu.dma_semaphore, #tpu.memory_space<semaphore_mem>> -> memref<1x!tpu.dma_semaphore, #tpu.memory_space<semaphore_mem>>
            %dma_wait3A_259 = tpu.memref_squeeze %dma_wait3A_258 : memref<1x!tpu.dma_semaphore, #tpu.memory_space<semaphore_mem>> -> memref<!tpu.dma_semaphore, #tpu.memory_space<semaphore_mem>>
            tpu.wait_indirect_dma semaphore(%dma_wait3A_259 : memref<!tpu.dma_semaphore, #tpu.memory_space<semaphore_mem>>) src(%dma_wait3A_251 : memref<128x128xf32, #tpu.memory_space<vmem>>) dst(%dma_wait3A_257 : memref<1024x128xf32, #tpu.memory_space<vmem_shared>>)
          } else {
          }
          %mul3A_203 = arith.constant 256 : i32
          %mul3A_204 = arith.muli %add3A_130, %mul3A_203 : i32
          %add3A_205 = arith.addi %mul3A_2, %mul3A_204 : i32
          %dma_start3A_206 = arith.constant 1 : i32
          %dma_start3A_207 = arith.constant 1 : i32
          %dma_start3A_208 = arith.constant 0 : i32
          %dma_start3A_209 = arith.constant 0 : i32
          %dma_start3A_210 = tpu.memref_slice %arg5[%dma_start3A_206, %dma_start3A_208, %dma_start3A_209] : memref<2x256x128xf32, #tpu.memory_space<vmem>> -> memref<1x256x128xf32, #tpu.memory_space<vmem>>
          %dma_start3A_211 = tpu.memref_squeeze %dma_start3A_210 : memref<1x256x128xf32, #tpu.memory_space<vmem>> -> memref<256x128xf32, #tpu.memory_space<vmem>>
          %dma_start3A_212 = arith.constant 0 : i32
          %dma_start3A_213 = tpu.memref_slice %arg2[%add3A_205, %dma_start3A_212] : memref<320000x128xf32, #tpu.memory_space<hbm>> -> memref<256x128xf32, #tpu.memory_space<hbm>>
          %dma_start3A_214 = tpu.memref_slice %arg9[%dma_start3A_207] : memref<2x!tpu.dma_semaphore, #tpu.memory_space<semaphore_mem>> -> memref<1x!tpu.dma_semaphore, #tpu.memory_space<semaphore_mem>>
          %dma_start3A_215 = tpu.memref_squeeze %dma_start3A_214 : memref<1x!tpu.dma_semaphore, #tpu.memory_space<semaphore_mem>> -> memref<!tpu.dma_semaphore, #tpu.memory_space<semaphore_mem>>
          %dma_start3A_216 = arith.constant 0 : i32
          %dma_start3A_217 = arith.constant 0 : i32
          %dma_start3A_218 = tpu.memref_slice %arg5[%dma_start3A_206, %dma_start3A_216, %dma_start3A_217] : memref<2x256x128xf32, #tpu.memory_space<vmem>> -> memref<1x256x128xf32, #tpu.memory_space<vmem>>
          %dma_start3A_219 = tpu.memref_squeeze %dma_start3A_218 : memref<1x256x128xf32, #tpu.memory_space<vmem>> -> memref<256x128xf32, #tpu.memory_space<vmem>>
          %dma_start3A_220 = arith.constant 0 : i32
          %dma_start3A_221 = tpu.memref_slice %arg2[%add3A_205, %dma_start3A_220] : memref<320000x128xf32, #tpu.memory_space<hbm>> -> memref<256x128xf32, #tpu.memory_space<hbm>>
          tpu.enqueue_dma source(%dma_start3A_221 : memref<256x128xf32, #tpu.memory_space<hbm>>) target(%dma_start3A_219 : memref<256x128xf32, #tpu.memory_space<vmem>>) target_semaphore(%dma_start3A_215 : memref<!tpu.dma_semaphore, #tpu.memory_space<semaphore_mem>>)
        } else {
        }
        %mul3A_144 = arith.constant 256 : i32
        %mul3A_145 = arith.muli %add3A_128, %mul3A_144 : i32
        %add3A_146 = arith.addi %mul3A_2, %mul3A_145 : i32
        %dma_wait3A_147 = arith.constant 0 : i32
        %dma_wait3A_148 = arith.constant 0 : i32
        %dma_wait3A_149 = arith.constant 0 : i32
        %dma_wait3A_150 = arith.constant 0 : i32
        %dma_wait3A_151 = tpu.memref_slice %arg5[%dma_wait3A_147, %dma_wait3A_149, %dma_wait3A_150] : memref<2x256x128xf32, #tpu.memory_space<vmem>> -> memref<1x256x128xf32, #tpu.memory_space<vmem>>
        %dma_wait3A_152 = tpu.memref_squeeze %dma_wait3A_151 : memref<1x256x128xf32, #tpu.memory_space<vmem>> -> memref<256x128xf32, #tpu.memory_space<vmem>>
        %dma_wait3A_153 = arith.constant 0 : i32
        %dma_wait3A_154 = tpu.memref_slice %arg2[%add3A_146, %dma_wait3A_153] : memref<320000x128xf32, #tpu.memory_space<hbm>> -> memref<256x128xf32, #tpu.memory_space<hbm>>
        %dma_wait3A_155 = tpu.memref_slice %arg9[%dma_wait3A_148] : memref<2x!tpu.dma_semaphore, #tpu.memory_space<semaphore_mem>> -> memref<1x!tpu.dma_semaphore, #tpu.memory_space<semaphore_mem>>
        %dma_wait3A_156 = tpu.memref_squeeze %dma_wait3A_155 : memref<1x!tpu.dma_semaphore, #tpu.memory_space<semaphore_mem>> -> memref<!tpu.dma_semaphore, #tpu.memory_space<semaphore_mem>>
        %dma_wait3A_157 = arith.constant 0 : i32
        %dma_wait3A_158 = arith.constant 0 : i32
        %dma_wait3A_159 = tpu.memref_slice %arg5[%dma_wait3A_147, %dma_wait3A_157, %dma_wait3A_158] : memref<2x256x128xf32, #tpu.memory_space<vmem>> -> memref<1x256x128xf32, #tpu.memory_space<vmem>>
        %dma_wait3A_160 = tpu.memref_squeeze %dma_wait3A_159 : memref<1x256x128xf32, #tpu.memory_space<vmem>> -> memref<256x128xf32, #tpu.memory_space<vmem>>
        %dma_wait3A_161 = arith.constant 0 : i32
        %dma_wait3A_162 = tpu.memref_slice %arg2[%add3A_146, %dma_wait3A_161] : memref<320000x128xf32, #tpu.memory_space<hbm>> -> memref<256x128xf32, #tpu.memory_space<hbm>>
        tpu.wait_dma2 semaphore(%dma_wait3A_156 : memref<!tpu.dma_semaphore, #tpu.memory_space<semaphore_mem>>) src(%dma_wait3A_162 : memref<256x128xf32, #tpu.memory_space<hbm>>) dst(%dma_wait3A_160 : memref<256x128xf32, #tpu.memory_space<vmem>>)
        %mul3A_163 = arith.constant 2 : i32
        %mul3A_164 = arith.muli %add3A_128, %mul3A_163 : i32
        %add3A_165 = arith.constant 0 : i32
        %add3A_166 = arith.addi %mul3A_164, %add3A_165 : i32
        %dma_start3A_167 = arith.constant 0 : i32
        %dma_start3A_168 = arith.constant 0 : i32
        %dma_start3A_169 = arith.constant 0 : i32
        %dma_start3A_170 = arith.constant 0 : i32
        %dma_start3A_171 = tpu.memref_slice %arg5[%dma_start3A_167, %dma_start3A_169, %dma_start3A_170] : memref<2x256x128xf32, #tpu.memory_space<vmem>> -> memref<1x128x128xf32, #tpu.memory_space<vmem>>
        %dma_start3A_172 = tpu.memref_squeeze %dma_start3A_171 : memref<1x128x128xf32, #tpu.memory_space<vmem>> -> memref<128x128xf32, #tpu.memory_space<vmem>>
        %dma_start3A_173 = arith.constant 0 : i32
        %dma_start3A_174 = tpu.memref_slice %arg6[%add3A_166, %dma_start3A_173] : memref<80x128xi32, #tpu.memory_space<vmem>> -> memref<1x128xi32, #tpu.memory_space<vmem>>
        %dma_start3A_175 = tpu.memref_squeeze %dma_start3A_174 : memref<1x128xi32, #tpu.memory_space<vmem>> -> memref<128xi32, #tpu.memory_space<vmem>>
        %dma_start3A_176 = arith.constant 0 : i32
        %dma_start3A_177 = arith.constant 0 : i32
        %dma_start3A_178 = tpu.memref_slice %arg8[%dma_start3A_176, %dma_start3A_177] : memref<1024x128xf32, #tpu.memory_space<vmem_shared>> -> memref<1024x128xf32, #tpu.memory_space<vmem_shared>>
        %dma_start3A_179 = tpu.memref_slice %arg10[%dma_start3A_168] : memref<2x!tpu.dma_semaphore, #tpu.memory_space<semaphore_mem>> -> memref<1x!tpu.dma_semaphore, #tpu.memory_space<semaphore_mem>>
        %dma_start3A_180 = tpu.memref_squeeze %dma_start3A_179 : memref<1x!tpu.dma_semaphore, #tpu.memory_space<semaphore_mem>> -> memref<!tpu.dma_semaphore, #tpu.memory_space<semaphore_mem>>
        tpu.enqueue_indirect_dma source(%dma_start3A_172 : memref<128x128xf32, #tpu.memory_space<vmem>>) target(%dma_start3A_178 : memref<1024x128xf32, #tpu.memory_space<vmem_shared>>) offsets(%dma_start3A_175 : memref<128xi32, #tpu.memory_space<vmem>>) semaphore(%dma_start3A_180 : memref<!tpu.dma_semaphore, #tpu.memory_space<semaphore_mem>>) {add = true}
        %mul3A_181 = arith.constant 2 : i32
        %mul3A_182 = arith.muli %add3A_128, %mul3A_181 : i32
        %add3A_183 = arith.constant 1 : i32
        %add3A_184 = arith.addi %mul3A_182, %add3A_183 : i32
        %dma_start3A_185 = arith.constant 0 : i32
        %dma_start3A_186 = arith.constant 0 : i32
        %dma_start3A_187 = arith.constant 128 : i32
        %dma_start3A_188 = arith.constant 0 : i32
        %dma_start3A_189 = tpu.memref_slice %arg5[%dma_start3A_185, %dma_start3A_187, %dma_start3A_188] : memref<2x256x128xf32, #tpu.memory_space<vmem>> -> memref<1x128x128xf32, #tpu.memory_space<vmem>>
        %dma_start3A_190 = tpu.memref_squeeze %dma_start3A_189 : memref<1x128x128xf32, #tpu.memory_space<vmem>> -> memref<128x128xf32, #tpu.memory_space<vmem>>
        %dma_start3A_191 = arith.constant 0 : i32
        %dma_start3A_192 = tpu.memref_slice %arg6[%add3A_184, %dma_start3A_191] : memref<80x128xi32, #tpu.memory_space<vmem>> -> memref<1x128xi32, #tpu.memory_space<vmem>>
        %dma_start3A_193 = tpu.memref_squeeze %dma_start3A_192 : memref<1x128xi32, #tpu.memory_space<vmem>> -> memref<128xi32, #tpu.memory_space<vmem>>
        %dma_start3A_194 = arith.constant 0 : i32
        %dma_start3A_195 = arith.constant 0 : i32
        %dma_start3A_196 = tpu.memref_slice %arg8[%dma_start3A_194, %dma_start3A_195] : memref<1024x128xf32, #tpu.memory_space<vmem_shared>> -> memref<1024x128xf32, #tpu.memory_space<vmem_shared>>
        %dma_start3A_197 = tpu.memref_slice %arg10[%dma_start3A_186] : memref<2x!tpu.dma_semaphore, #tpu.memory_space<semaphore_mem>> -> memref<1x!tpu.dma_semaphore, #tpu.memory_space<semaphore_mem>>
        %dma_start3A_198 = tpu.memref_squeeze %dma_start3A_197 : memref<1x!tpu.dma_semaphore, #tpu.memory_space<semaphore_mem>> -> memref<!tpu.dma_semaphore, #tpu.memory_space<semaphore_mem>>
        tpu.enqueue_indirect_dma source(%dma_start3A_190 : memref<128x128xf32, #tpu.memory_space<vmem>>) target(%dma_start3A_196 : memref<1024x128xf32, #tpu.memory_space<vmem_shared>>) offsets(%dma_start3A_193 : memref<128xi32, #tpu.memory_space<vmem>>) semaphore(%dma_start3A_198 : memref<!tpu.dma_semaphore, #tpu.memory_space<semaphore_mem>>) {add = true}
      } else {
      }
      %add3A_132 = arith.constant 1 : i32
      %add3A_133 = arith.addi %add3A_126, %add3A_132 : i32
      %add3A_134 = arith.constant 1 : i32
      %add3A_135 = arith.addi %add3A_133, %add3A_134 : i32
      %lt3A_136 = arith.cmpi slt, %add3A_133, %select_n3A : i32
      %convert_element_type3A_137 = arith.extui %lt3A_136 : i1 to i32
      %cond3A_138 = arith.constant 0 : i32
      %cond3A_139 = arith.cmpi ne, %convert_element_type3A_137, %cond3A_138 : i32
      scf.if %cond3A_139 {
        %lt3A_140 = arith.cmpi slt, %add3A_135, %select_n3A : i32
        %convert_element_type3A_141 = arith.extui %lt3A_140 : i1 to i32
        %cond3A_142 = arith.constant 0 : i32
        %cond3A_143 = arith.cmpi ne, %convert_element_type3A_141, %cond3A_142 : i32
        scf.if %cond3A_143 {
          %ge3A = arith.constant 1 : i32
          %ge3A_199 = arith.cmpi sge, %add3A_133, %ge3A : i32
          %convert_element_type3A_200 = arith.extui %ge3A_199 : i1 to i32
          %cond3A_201 = arith.constant 0 : i32
          %cond3A_202 = arith.cmpi ne, %convert_element_type3A_200, %cond3A_201 : i32
          scf.if %cond3A_202 {
            %sub3A_222 = arith.constant 1 : i32
            %sub3A_223 = arith.subi %add3A_133, %sub3A_222 : i32
            %mul3A_224 = arith.constant 2 : i32
            %mul3A_225 = arith.muli %sub3A_223, %mul3A_224 : i32
            %add3A_226 = arith.constant 0 : i32
            %add3A_227 = arith.addi %mul3A_225, %add3A_226 : i32
            %mul3A_228 = arith.constant 2 : i32
            %mul3A_229 = arith.muli %sub3A_223, %mul3A_228 : i32
            %add3A_230 = arith.constant 1 : i32
            %add3A_231 = arith.addi %mul3A_229, %add3A_230 : i32
            %dma_wait3A_232 = arith.constant 0 : i32
            %dma_wait3A_233 = arith.constant 0 : i32
            %dma_wait3A_234 = arith.constant 0 : i32
            %dma_wait3A_235 = arith.constant 0 : i32
            %dma_wait3A_236 = tpu.memref_slice %arg5[%dma_wait3A_232, %dma_wait3A_234, %dma_wait3A_235] : memref<2x256x128xf32, #tpu.memory_space<vmem>> -> memref<1x128x128xf32, #tpu.memory_space<vmem>>
            %dma_wait3A_237 = tpu.memref_squeeze %dma_wait3A_236 : memref<1x128x128xf32, #tpu.memory_space<vmem>> -> memref<128x128xf32, #tpu.memory_space<vmem>>
            %dma_wait3A_238 = arith.constant 0 : i32
            %dma_wait3A_239 = tpu.memref_slice %arg6[%add3A_227, %dma_wait3A_238] : memref<80x128xi32, #tpu.memory_space<vmem>> -> memref<1x128xi32, #tpu.memory_space<vmem>>
            %dma_wait3A_240 = tpu.memref_squeeze %dma_wait3A_239 : memref<1x128xi32, #tpu.memory_space<vmem>> -> memref<128xi32, #tpu.memory_space<vmem>>
            %dma_wait3A_241 = arith.constant 0 : i32
            %dma_wait3A_242 = arith.constant 0 : i32
            %dma_wait3A_243 = tpu.memref_slice %arg8[%dma_wait3A_241, %dma_wait3A_242] : memref<1024x128xf32, #tpu.memory_space<vmem_shared>> -> memref<1024x128xf32, #tpu.memory_space<vmem_shared>>
            %dma_wait3A_244 = tpu.memref_slice %arg10[%dma_wait3A_233] : memref<2x!tpu.dma_semaphore, #tpu.memory_space<semaphore_mem>> -> memref<1x!tpu.dma_semaphore, #tpu.memory_space<semaphore_mem>>
            %dma_wait3A_245 = tpu.memref_squeeze %dma_wait3A_244 : memref<1x!tpu.dma_semaphore, #tpu.memory_space<semaphore_mem>> -> memref<!tpu.dma_semaphore, #tpu.memory_space<semaphore_mem>>
            tpu.wait_indirect_dma semaphore(%dma_wait3A_245 : memref<!tpu.dma_semaphore, #tpu.memory_space<semaphore_mem>>) src(%dma_wait3A_237 : memref<128x128xf32, #tpu.memory_space<vmem>>) dst(%dma_wait3A_243 : memref<1024x128xf32, #tpu.memory_space<vmem_shared>>)
            %dma_wait3A_246 = arith.constant 0 : i32
            %dma_wait3A_247 = arith.constant 0 : i32
            %dma_wait3A_248 = arith.constant 128 : i32
            %dma_wait3A_249 = arith.constant 0 : i32
            %dma_wait3A_250 = tpu.memref_slice %arg5[%dma_wait3A_246, %dma_wait3A_248, %dma_wait3A_249] : memref<2x256x128xf32, #tpu.memory_space<vmem>> -> memref<1x128x128xf32, #tpu.memory_space<vmem>>
            %dma_wait3A_251 = tpu.memref_squeeze %dma_wait3A_250 : memref<1x128x128xf32, #tpu.memory_space<vmem>> -> memref<128x128xf32, #tpu.memory_space<vmem>>
            %dma_wait3A_252 = arith.constant 0 : i32
            %dma_wait3A_253 = tpu.memref_slice %arg6[%add3A_231, %dma_wait3A_252] : memref<80x128xi32, #tpu.memory_space<vmem>> -> memref<1x128xi32, #tpu.memory_space<vmem>>
            %dma_wait3A_254 = tpu.memref_squeeze %dma_wait3A_253 : memref<1x128xi32, #tpu.memory_space<vmem>> -> memref<128xi32, #tpu.memory_space<vmem>>
            %dma_wait3A_255 = arith.constant 0 : i32
            %dma_wait3A_256 = arith.constant 0 : i32
            %dma_wait3A_257 = tpu.memref_slice %arg8[%dma_wait3A_255, %dma_wait3A_256] : memref<1024x128xf32, #tpu.memory_space<vmem_shared>> -> memref<1024x128xf32, #tpu.memory_space<vmem_shared>>
            %dma_wait3A_258 = tpu.memref_slice %arg10[%dma_wait3A_247] : memref<2x!tpu.dma_semaphore, #tpu.memory_space<semaphore_mem>> -> memref<1x!tpu.dma_semaphore, #tpu.memory_space<semaphore_mem>>
            %dma_wait3A_259 = tpu.memref_squeeze %dma_wait3A_258 : memref<1x!tpu.dma_semaphore, #tpu.memory_space<semaphore_mem>> -> memref<!tpu.dma_semaphore, #tpu.memory_space<semaphore_mem>>
            tpu.wait_indirect_dma semaphore(%dma_wait3A_259 : memref<!tpu.dma_semaphore, #tpu.memory_space<semaphore_mem>>) src(%dma_wait3A_251 : memref<128x128xf32, #tpu.memory_space<vmem>>) dst(%dma_wait3A_257 : memref<1024x128xf32, #tpu.memory_space<vmem_shared>>)
          } else {
          }
          %mul3A_203 = arith.constant 256 : i32
          %mul3A_204 = arith.muli %add3A_135, %mul3A_203 : i32
          %add3A_205 = arith.addi %mul3A_2, %mul3A_204 : i32
          %dma_start3A_206 = arith.constant 0 : i32
          %dma_start3A_207 = arith.constant 0 : i32
          %dma_start3A_208 = arith.constant 0 : i32
          %dma_start3A_209 = arith.constant 0 : i32
          %dma_start3A_210 = tpu.memref_slice %arg5[%dma_start3A_206, %dma_start3A_208, %dma_start3A_209] : memref<2x256x128xf32, #tpu.memory_space<vmem>> -> memref<1x256x128xf32, #tpu.memory_space<vmem>>
          %dma_start3A_211 = tpu.memref_squeeze %dma_start3A_210 : memref<1x256x128xf32, #tpu.memory_space<vmem>> -> memref<256x128xf32, #tpu.memory_space<vmem>>
          %dma_start3A_212 = arith.constant 0 : i32
          %dma_start3A_213 = tpu.memref_slice %arg2[%add3A_205, %dma_start3A_212] : memref<320000x128xf32, #tpu.memory_space<hbm>> -> memref<256x128xf32, #tpu.memory_space<hbm>>
          %dma_start3A_214 = tpu.memref_slice %arg9[%dma_start3A_207] : memref<2x!tpu.dma_semaphore, #tpu.memory_space<semaphore_mem>> -> memref<1x!tpu.dma_semaphore, #tpu.memory_space<semaphore_mem>>
          %dma_start3A_215 = tpu.memref_squeeze %dma_start3A_214 : memref<1x!tpu.dma_semaphore, #tpu.memory_space<semaphore_mem>> -> memref<!tpu.dma_semaphore, #tpu.memory_space<semaphore_mem>>
          %dma_start3A_216 = arith.constant 0 : i32
          %dma_start3A_217 = arith.constant 0 : i32
          %dma_start3A_218 = tpu.memref_slice %arg5[%dma_start3A_206, %dma_start3A_216, %dma_start3A_217] : memref<2x256x128xf32, #tpu.memory_space<vmem>> -> memref<1x256x128xf32, #tpu.memory_space<vmem>>
          %dma_start3A_219 = tpu.memref_squeeze %dma_start3A_218 : memref<1x256x128xf32, #tpu.memory_space<vmem>> -> memref<256x128xf32, #tpu.memory_space<vmem>>
          %dma_start3A_220 = arith.constant 0 : i32
          %dma_start3A_221 = tpu.memref_slice %arg2[%add3A_205, %dma_start3A_220] : memref<320000x128xf32, #tpu.memory_space<hbm>> -> memref<256x128xf32, #tpu.memory_space<hbm>>
          tpu.enqueue_dma source(%dma_start3A_221 : memref<256x128xf32, #tpu.memory_space<hbm>>) target(%dma_start3A_219 : memref<256x128xf32, #tpu.memory_space<vmem>>) target_semaphore(%dma_start3A_215 : memref<!tpu.dma_semaphore, #tpu.memory_space<semaphore_mem>>)
        } else {
        }
        %mul3A_144 = arith.constant 256 : i32
        %mul3A_145 = arith.muli %add3A_133, %mul3A_144 : i32
        %add3A_146 = arith.addi %mul3A_2, %mul3A_145 : i32
        %dma_wait3A_147 = arith.constant 1 : i32
        %dma_wait3A_148 = arith.constant 1 : i32
        %dma_wait3A_149 = arith.constant 0 : i32
        %dma_wait3A_150 = arith.constant 0 : i32
        %dma_wait3A_151 = tpu.memref_slice %arg5[%dma_wait3A_147, %dma_wait3A_149, %dma_wait3A_150] : memref<2x256x128xf32, #tpu.memory_space<vmem>> -> memref<1x256x128xf32, #tpu.memory_space<vmem>>
        %dma_wait3A_152 = tpu.memref_squeeze %dma_wait3A_151 : memref<1x256x128xf32, #tpu.memory_space<vmem>> -> memref<256x128xf32, #tpu.memory_space<vmem>>
        %dma_wait3A_153 = arith.constant 0 : i32
        %dma_wait3A_154 = tpu.memref_slice %arg2[%add3A_146, %dma_wait3A_153] : memref<320000x128xf32, #tpu.memory_space<hbm>> -> memref<256x128xf32, #tpu.memory_space<hbm>>
        %dma_wait3A_155 = tpu.memref_slice %arg9[%dma_wait3A_148] : memref<2x!tpu.dma_semaphore, #tpu.memory_space<semaphore_mem>> -> memref<1x!tpu.dma_semaphore, #tpu.memory_space<semaphore_mem>>
        %dma_wait3A_156 = tpu.memref_squeeze %dma_wait3A_155 : memref<1x!tpu.dma_semaphore, #tpu.memory_space<semaphore_mem>> -> memref<!tpu.dma_semaphore, #tpu.memory_space<semaphore_mem>>
        %dma_wait3A_157 = arith.constant 0 : i32
        %dma_wait3A_158 = arith.constant 0 : i32
        %dma_wait3A_159 = tpu.memref_slice %arg5[%dma_wait3A_147, %dma_wait3A_157, %dma_wait3A_158] : memref<2x256x128xf32, #tpu.memory_space<vmem>> -> memref<1x256x128xf32, #tpu.memory_space<vmem>>
        %dma_wait3A_160 = tpu.memref_squeeze %dma_wait3A_159 : memref<1x256x128xf32, #tpu.memory_space<vmem>> -> memref<256x128xf32, #tpu.memory_space<vmem>>
        %dma_wait3A_161 = arith.constant 0 : i32
        %dma_wait3A_162 = tpu.memref_slice %arg2[%add3A_146, %dma_wait3A_161] : memref<320000x128xf32, #tpu.memory_space<hbm>> -> memref<256x128xf32, #tpu.memory_space<hbm>>
        tpu.wait_dma2 semaphore(%dma_wait3A_156 : memref<!tpu.dma_semaphore, #tpu.memory_space<semaphore_mem>>) src(%dma_wait3A_162 : memref<256x128xf32, #tpu.memory_space<hbm>>) dst(%dma_wait3A_160 : memref<256x128xf32, #tpu.memory_space<vmem>>)
        %mul3A_163 = arith.constant 2 : i32
        %mul3A_164 = arith.muli %add3A_133, %mul3A_163 : i32
        %add3A_165 = arith.constant 0 : i32
        %add3A_166 = arith.addi %mul3A_164, %add3A_165 : i32
        %dma_start3A_167 = arith.constant 1 : i32
        %dma_start3A_168 = arith.constant 1 : i32
        %dma_start3A_169 = arith.constant 0 : i32
        %dma_start3A_170 = arith.constant 0 : i32
        %dma_start3A_171 = tpu.memref_slice %arg5[%dma_start3A_167, %dma_start3A_169, %dma_start3A_170] : memref<2x256x128xf32, #tpu.memory_space<vmem>> -> memref<1x128x128xf32, #tpu.memory_space<vmem>>
        %dma_start3A_172 = tpu.memref_squeeze %dma_start3A_171 : memref<1x128x128xf32, #tpu.memory_space<vmem>> -> memref<128x128xf32, #tpu.memory_space<vmem>>
        %dma_start3A_173 = arith.constant 0 : i32
        %dma_start3A_174 = tpu.memref_slice %arg6[%add3A_166, %dma_start3A_173] : memref<80x128xi32, #tpu.memory_space<vmem>> -> memref<1x128xi32, #tpu.memory_space<vmem>>
        %dma_start3A_175 = tpu.memref_squeeze %dma_start3A_174 : memref<1x128xi32, #tpu.memory_space<vmem>> -> memref<128xi32, #tpu.memory_space<vmem>>
        %dma_start3A_176 = arith.constant 0 : i32
        %dma_start3A_177 = arith.constant 0 : i32
        %dma_start3A_178 = tpu.memref_slice %arg8[%dma_start3A_176, %dma_start3A_177] : memref<1024x128xf32, #tpu.memory_space<vmem_shared>> -> memref<1024x128xf32, #tpu.memory_space<vmem_shared>>
        %dma_start3A_179 = tpu.memref_slice %arg10[%dma_start3A_168] : memref<2x!tpu.dma_semaphore, #tpu.memory_space<semaphore_mem>> -> memref<1x!tpu.dma_semaphore, #tpu.memory_space<semaphore_mem>>
        %dma_start3A_180 = tpu.memref_squeeze %dma_start3A_179 : memref<1x!tpu.dma_semaphore, #tpu.memory_space<semaphore_mem>> -> memref<!tpu.dma_semaphore, #tpu.memory_space<semaphore_mem>>
        tpu.enqueue_indirect_dma source(%dma_start3A_172 : memref<128x128xf32, #tpu.memory_space<vmem>>) target(%dma_start3A_178 : memref<1024x128xf32, #tpu.memory_space<vmem_shared>>) offsets(%dma_start3A_175 : memref<128xi32, #tpu.memory_space<vmem>>) semaphore(%dma_start3A_180 : memref<!tpu.dma_semaphore, #tpu.memory_space<semaphore_mem>>) {add = true}
        %mul3A_181 = arith.constant 2 : i32
        %mul3A_182 = arith.muli %add3A_133, %mul3A_181 : i32
        %add3A_183 = arith.constant 1 : i32
        %add3A_184 = arith.addi %mul3A_182, %add3A_183 : i32
        %dma_start3A_185 = arith.constant 1 : i32
        %dma_start3A_186 = arith.constant 1 : i32
        %dma_start3A_187 = arith.constant 128 : i32
        %dma_start3A_188 = arith.constant 0 : i32
        %dma_start3A_189 = tpu.memref_slice %arg5[%dma_start3A_185, %dma_start3A_187, %dma_start3A_188] : memref<2x256x128xf32, #tpu.memory_space<vmem>> -> memref<1x128x128xf32, #tpu.memory_space<vmem>>
        %dma_start3A_190 = tpu.memref_squeeze %dma_start3A_189 : memref<1x128x128xf32, #tpu.memory_space<vmem>> -> memref<128x128xf32, #tpu.memory_space<vmem>>
        %dma_start3A_191 = arith.constant 0 : i32
        %dma_start3A_192 = tpu.memref_slice %arg6[%add3A_184, %dma_start3A_191] : memref<80x128xi32, #tpu.memory_space<vmem>> -> memref<1x128xi32, #tpu.memory_space<vmem>>
        %dma_start3A_193 = tpu.memref_squeeze %dma_start3A_192 : memref<1x128xi32, #tpu.memory_space<vmem>> -> memref<128xi32, #tpu.memory_space<vmem>>
        %dma_start3A_194 = arith.constant 0 : i32
        %dma_start3A_195 = arith.constant 0 : i32
        %dma_start3A_196 = tpu.memref_slice %arg8[%dma_start3A_194, %dma_start3A_195] : memref<1024x128xf32, #tpu.memory_space<vmem_shared>> -> memref<1024x128xf32, #tpu.memory_space<vmem_shared>>
        %dma_start3A_197 = tpu.memref_slice %arg10[%dma_start3A_186] : memref<2x!tpu.dma_semaphore, #tpu.memory_space<semaphore_mem>> -> memref<1x!tpu.dma_semaphore, #tpu.memory_space<semaphore_mem>>
        %dma_start3A_198 = tpu.memref_squeeze %dma_start3A_197 : memref<1x!tpu.dma_semaphore, #tpu.memory_space<semaphore_mem>> -> memref<!tpu.dma_semaphore, #tpu.memory_space<semaphore_mem>>
        tpu.enqueue_indirect_dma source(%dma_start3A_190 : memref<128x128xf32, #tpu.memory_space<vmem>>) target(%dma_start3A_196 : memref<1024x128xf32, #tpu.memory_space<vmem_shared>>) offsets(%dma_start3A_193 : memref<128xi32, #tpu.memory_space<vmem>>) semaphore(%dma_start3A_198 : memref<!tpu.dma_semaphore, #tpu.memory_space<semaphore_mem>>) {add = true}
      } else {
      }
    }
    %while3A_45 = arith.constant 1 : i32
    scf.for %while3A_124 = %while3A_43 to %while3A_39 step %while3A_45  : i32 {
      %mul3A_125 = arith.muli %while3A_124, %while3A : i32
      %add3A_126 = arith.addi %while3A_36, %mul3A_125 : i32
      %add3A_127 = arith.constant 0 : i32
      %add3A_128 = arith.addi %add3A_126, %add3A_127 : i32
      %add3A_129 = arith.constant 1 : i32
      %add3A_130 = arith.addi %add3A_128, %add3A_129 : i32
      %lt3A = arith.cmpi slt, %add3A_128, %select_n3A : i32
      %convert_element_type3A = arith.extui %lt3A : i1 to i32
      %cond3A = arith.constant 0 : i32
      %cond3A_131 = arith.cmpi ne, %convert_element_type3A, %cond3A : i32
      scf.if %cond3A_131 {
        %lt3A_140 = arith.cmpi slt, %add3A_130, %select_n3A : i32
        %convert_element_type3A_141 = arith.extui %lt3A_140 : i1 to i32
        %cond3A_142 = arith.constant 0 : i32
        %cond3A_143 = arith.cmpi ne, %convert_element_type3A_141, %cond3A_142 : i32
        scf.if %cond3A_143 {
          %ge3A = arith.constant 1 : i32
          %ge3A_199 = arith.cmpi sge, %add3A_128, %ge3A : i32
          %convert_element_type3A_200 = arith.extui %ge3A_199 : i1 to i32
          %cond3A_201 = arith.constant 0 : i32
          %cond3A_202 = arith.cmpi ne, %convert_element_type3A_200, %cond3A_201 : i32
          scf.if %cond3A_202 {
            %sub3A_222 = arith.constant 1 : i32
            %sub3A_223 = arith.subi %add3A_128, %sub3A_222 : i32
            %mul3A_224 = arith.constant 2 : i32
            %mul3A_225 = arith.muli %sub3A_223, %mul3A_224 : i32
            %add3A_226 = arith.constant 0 : i32
            %add3A_227 = arith.addi %mul3A_225, %add3A_226 : i32
            %mul3A_228 = arith.constant 2 : i32
            %mul3A_229 = arith.muli %sub3A_223, %mul3A_228 : i32
            %add3A_230 = arith.constant 1 : i32
            %add3A_231 = arith.addi %mul3A_229, %add3A_230 : i32
            %dma_wait3A_232 = arith.constant 1 : i32
            %dma_wait3A_233 = arith.constant 1 : i32
            %dma_wait3A_234 = arith.constant 0 : i32
            %dma_wait3A_235 = arith.constant 0 : i32
            %dma_wait3A_236 = tpu.memref_slice %arg5[%dma_wait3A_232, %dma_wait3A_234, %dma_wait3A_235] : memref<2x256x128xf32, #tpu.memory_space<vmem>> -> memref<1x128x128xf32, #tpu.memory_space<vmem>>
            %dma_wait3A_237 = tpu.memref_squeeze %dma_wait3A_236 : memref<1x128x128xf32, #tpu.memory_space<vmem>> -> memref<128x128xf32, #tpu.memory_space<vmem>>
            %dma_wait3A_238 = arith.constant 0 : i32
            %dma_wait3A_239 = tpu.memref_slice %arg6[%add3A_227, %dma_wait3A_238] : memref<80x128xi32, #tpu.memory_space<vmem>> -> memref<1x128xi32, #tpu.memory_space<vmem>>
            %dma_wait3A_240 = tpu.memref_squeeze %dma_wait3A_239 : memref<1x128xi32, #tpu.memory_space<vmem>> -> memref<128xi32, #tpu.memory_space<vmem>>
            %dma_wait3A_241 = arith.constant 0 : i32
            %dma_wait3A_242 = arith.constant 0 : i32
            %dma_wait3A_243 = tpu.memref_slice %arg8[%dma_wait3A_241, %dma_wait3A_242] : memref<1024x128xf32, #tpu.memory_space<vmem_shared>> -> memref<1024x128xf32, #tpu.memory_space<vmem_shared>>
            %dma_wait3A_244 = tpu.memref_slice %arg10[%dma_wait3A_233] : memref<2x!tpu.dma_semaphore, #tpu.memory_space<semaphore_mem>> -> memref<1x!tpu.dma_semaphore, #tpu.memory_space<semaphore_mem>>
            %dma_wait3A_245 = tpu.memref_squeeze %dma_wait3A_244 : memref<1x!tpu.dma_semaphore, #tpu.memory_space<semaphore_mem>> -> memref<!tpu.dma_semaphore, #tpu.memory_space<semaphore_mem>>
            tpu.wait_indirect_dma semaphore(%dma_wait3A_245 : memref<!tpu.dma_semaphore, #tpu.memory_space<semaphore_mem>>) src(%dma_wait3A_237 : memref<128x128xf32, #tpu.memory_space<vmem>>) dst(%dma_wait3A_243 : memref<1024x128xf32, #tpu.memory_space<vmem_shared>>)
            %dma_wait3A_246 = arith.constant 1 : i32
            %dma_wait3A_247 = arith.constant 1 : i32
            %dma_wait3A_248 = arith.constant 128 : i32
            %dma_wait3A_249 = arith.constant 0 : i32
            %dma_wait3A_250 = tpu.memref_slice %arg5[%dma_wait3A_246, %dma_wait3A_248, %dma_wait3A_249] : memref<2x256x128xf32, #tpu.memory_space<vmem>> -> memref<1x128x128xf32, #tpu.memory_space<vmem>>
            %dma_wait3A_251 = tpu.memref_squeeze %dma_wait3A_250 : memref<1x128x128xf32, #tpu.memory_space<vmem>> -> memref<128x128xf32, #tpu.memory_space<vmem>>
            %dma_wait3A_252 = arith.constant 0 : i32
            %dma_wait3A_253 = tpu.memref_slice %arg6[%add3A_231, %dma_wait3A_252] : memref<80x128xi32, #tpu.memory_space<vmem>> -> memref<1x128xi32, #tpu.memory_space<vmem>>
            %dma_wait3A_254 = tpu.memref_squeeze %dma_wait3A_253 : memref<1x128xi32, #tpu.memory_space<vmem>> -> memref<128xi32, #tpu.memory_space<vmem>>
            %dma_wait3A_255 = arith.constant 0 : i32
            %dma_wait3A_256 = arith.constant 0 : i32
            %dma_wait3A_257 = tpu.memref_slice %arg8[%dma_wait3A_255, %dma_wait3A_256] : memref<1024x128xf32, #tpu.memory_space<vmem_shared>> -> memref<1024x128xf32, #tpu.memory_space<vmem_shared>>
            %dma_wait3A_258 = tpu.memref_slice %arg10[%dma_wait3A_247] : memref<2x!tpu.dma_semaphore, #tpu.memory_space<semaphore_mem>> -> memref<1x!tpu.dma_semaphore, #tpu.memory_space<semaphore_mem>>
            %dma_wait3A_259 = tpu.memref_squeeze %dma_wait3A_258 : memref<1x!tpu.dma_semaphore, #tpu.memory_space<semaphore_mem>> -> memref<!tpu.dma_semaphore, #tpu.memory_space<semaphore_mem>>
            tpu.wait_indirect_dma semaphore(%dma_wait3A_259 : memref<!tpu.dma_semaphore, #tpu.memory_space<semaphore_mem>>) src(%dma_wait3A_251 : memref<128x128xf32, #tpu.memory_space<vmem>>) dst(%dma_wait3A_257 : memref<1024x128xf32, #tpu.memory_space<vmem_shared>>)
          } else {
          }
          %mul3A_203 = arith.constant 256 : i32
          %mul3A_204 = arith.muli %add3A_130, %mul3A_203 : i32
          %add3A_205 = arith.addi %mul3A_2, %mul3A_204 : i32
          %dma_start3A_206 = arith.constant 1 : i32
          %dma_start3A_207 = arith.constant 1 : i32
          %dma_start3A_208 = arith.constant 0 : i32
          %dma_start3A_209 = arith.constant 0 : i32
          %dma_start3A_210 = tpu.memref_slice %arg5[%dma_start3A_206, %dma_start3A_208, %dma_start3A_209] : memref<2x256x128xf32, #tpu.memory_space<vmem>> -> memref<1x256x128xf32, #tpu.memory_space<vmem>>
          %dma_start3A_211 = tpu.memref_squeeze %dma_start3A_210 : memref<1x256x128xf32, #tpu.memory_space<vmem>> -> memref<256x128xf32, #tpu.memory_space<vmem>>
          %dma_start3A_212 = arith.constant 0 : i32
          %dma_start3A_213 = tpu.memref_slice %arg2[%add3A_205, %dma_start3A_212] : memref<320000x128xf32, #tpu.memory_space<hbm>> -> memref<256x128xf32, #tpu.memory_space<hbm>>
          %dma_start3A_214 = tpu.memref_slice %arg9[%dma_start3A_207] : memref<2x!tpu.dma_semaphore, #tpu.memory_space<semaphore_mem>> -> memref<1x!tpu.dma_semaphore, #tpu.memory_space<semaphore_mem>>
          %dma_start3A_215 = tpu.memref_squeeze %dma_start3A_214 : memref<1x!tpu.dma_semaphore, #tpu.memory_space<semaphore_mem>> -> memref<!tpu.dma_semaphore, #tpu.memory_space<semaphore_mem>>
          %dma_start3A_216 = arith.constant 0 : i32
          %dma_start3A_217 = arith.constant 0 : i32
          %dma_start3A_218 = tpu.memref_slice %arg5[%dma_start3A_206, %dma_start3A_216, %dma_start3A_217] : memref<2x256x128xf32, #tpu.memory_space<vmem>> -> memref<1x256x128xf32, #tpu.memory_space<vmem>>
          %dma_start3A_219 = tpu.memref_squeeze %dma_start3A_218 : memref<1x256x128xf32, #tpu.memory_space<vmem>> -> memref<256x128xf32, #tpu.memory_space<vmem>>
          %dma_start3A_220 = arith.constant 0 : i32
          %dma_start3A_221 = tpu.memref_slice %arg2[%add3A_205, %dma_start3A_220] : memref<320000x128xf32, #tpu.memory_space<hbm>> -> memref<256x128xf32, #tpu.memory_space<hbm>>
          tpu.enqueue_dma source(%dma_start3A_221 : memref<256x128xf32, #tpu.memory_space<hbm>>) target(%dma_start3A_219 : memref<256x128xf32, #tpu.memory_space<vmem>>) target_semaphore(%dma_start3A_215 : memref<!tpu.dma_semaphore, #tpu.memory_space<semaphore_mem>>)
        } else {
        }
        %mul3A_144 = arith.constant 256 : i32
        %mul3A_145 = arith.muli %add3A_128, %mul3A_144 : i32
        %add3A_146 = arith.addi %mul3A_2, %mul3A_145 : i32
        %dma_wait3A_147 = arith.constant 0 : i32
        %dma_wait3A_148 = arith.constant 0 : i32
        %dma_wait3A_149 = arith.constant 0 : i32
        %dma_wait3A_150 = arith.constant 0 : i32
        %dma_wait3A_151 = tpu.memref_slice %arg5[%dma_wait3A_147, %dma_wait3A_149, %dma_wait3A_150] : memref<2x256x128xf32, #tpu.memory_space<vmem>> -> memref<1x256x128xf32, #tpu.memory_space<vmem>>
        %dma_wait3A_152 = tpu.memref_squeeze %dma_wait3A_151 : memref<1x256x128xf32, #tpu.memory_space<vmem>> -> memref<256x128xf32, #tpu.memory_space<vmem>>
        %dma_wait3A_153 = arith.constant 0 : i32
        %dma_wait3A_154 = tpu.memref_slice %arg2[%add3A_146, %dma_wait3A_153] : memref<320000x128xf32, #tpu.memory_space<hbm>> -> memref<256x128xf32, #tpu.memory_space<hbm>>
        %dma_wait3A_155 = tpu.memref_slice %arg9[%dma_wait3A_148] : memref<2x!tpu.dma_semaphore, #tpu.memory_space<semaphore_mem>> -> memref<1x!tpu.dma_semaphore, #tpu.memory_space<semaphore_mem>>
        %dma_wait3A_156 = tpu.memref_squeeze %dma_wait3A_155 : memref<1x!tpu.dma_semaphore, #tpu.memory_space<semaphore_mem>> -> memref<!tpu.dma_semaphore, #tpu.memory_space<semaphore_mem>>
        %dma_wait3A_157 = arith.constant 0 : i32
        %dma_wait3A_158 = arith.constant 0 : i32
        %dma_wait3A_159 = tpu.memref_slice %arg5[%dma_wait3A_147, %dma_wait3A_157, %dma_wait3A_158] : memref<2x256x128xf32, #tpu.memory_space<vmem>> -> memref<1x256x128xf32, #tpu.memory_space<vmem>>
        %dma_wait3A_160 = tpu.memref_squeeze %dma_wait3A_159 : memref<1x256x128xf32, #tpu.memory_space<vmem>> -> memref<256x128xf32, #tpu.memory_space<vmem>>
        %dma_wait3A_161 = arith.constant 0 : i32
        %dma_wait3A_162 = tpu.memref_slice %arg2[%add3A_146, %dma_wait3A_161] : memref<320000x128xf32, #tpu.memory_space<hbm>> -> memref<256x128xf32, #tpu.memory_space<hbm>>
        tpu.wait_dma2 semaphore(%dma_wait3A_156 : memref<!tpu.dma_semaphore, #tpu.memory_space<semaphore_mem>>) src(%dma_wait3A_162 : memref<256x128xf32, #tpu.memory_space<hbm>>) dst(%dma_wait3A_160 : memref<256x128xf32, #tpu.memory_space<vmem>>)
        %mul3A_163 = arith.constant 2 : i32
        %mul3A_164 = arith.muli %add3A_128, %mul3A_163 : i32
        %add3A_165 = arith.constant 0 : i32
        %add3A_166 = arith.addi %mul3A_164, %add3A_165 : i32
        %dma_start3A_167 = arith.constant 0 : i32
        %dma_start3A_168 = arith.constant 0 : i32
        %dma_start3A_169 = arith.constant 0 : i32
        %dma_start3A_170 = arith.constant 0 : i32
        %dma_start3A_171 = tpu.memref_slice %arg5[%dma_start3A_167, %dma_start3A_169, %dma_start3A_170] : memref<2x256x128xf32, #tpu.memory_space<vmem>> -> memref<1x128x128xf32, #tpu.memory_space<vmem>>
        %dma_start3A_172 = tpu.memref_squeeze %dma_start3A_171 : memref<1x128x128xf32, #tpu.memory_space<vmem>> -> memref<128x128xf32, #tpu.memory_space<vmem>>
        %dma_start3A_173 = arith.constant 0 : i32
        %dma_start3A_174 = tpu.memref_slice %arg6[%add3A_166, %dma_start3A_173] : memref<80x128xi32, #tpu.memory_space<vmem>> -> memref<1x128xi32, #tpu.memory_space<vmem>>
        %dma_start3A_175 = tpu.memref_squeeze %dma_start3A_174 : memref<1x128xi32, #tpu.memory_space<vmem>> -> memref<128xi32, #tpu.memory_space<vmem>>
        %dma_start3A_176 = arith.constant 0 : i32
        %dma_start3A_177 = arith.constant 0 : i32
        %dma_start3A_178 = tpu.memref_slice %arg8[%dma_start3A_176, %dma_start3A_177] : memref<1024x128xf32, #tpu.memory_space<vmem_shared>> -> memref<1024x128xf32, #tpu.memory_space<vmem_shared>>
        %dma_start3A_179 = tpu.memref_slice %arg10[%dma_start3A_168] : memref<2x!tpu.dma_semaphore, #tpu.memory_space<semaphore_mem>> -> memref<1x!tpu.dma_semaphore, #tpu.memory_space<semaphore_mem>>
        %dma_start3A_180 = tpu.memref_squeeze %dma_start3A_179 : memref<1x!tpu.dma_semaphore, #tpu.memory_space<semaphore_mem>> -> memref<!tpu.dma_semaphore, #tpu.memory_space<semaphore_mem>>
        tpu.enqueue_indirect_dma source(%dma_start3A_172 : memref<128x128xf32, #tpu.memory_space<vmem>>) target(%dma_start3A_178 : memref<1024x128xf32, #tpu.memory_space<vmem_shared>>) offsets(%dma_start3A_175 : memref<128xi32, #tpu.memory_space<vmem>>) semaphore(%dma_start3A_180 : memref<!tpu.dma_semaphore, #tpu.memory_space<semaphore_mem>>) {add = true}
        %mul3A_181 = arith.constant 2 : i32
        %mul3A_182 = arith.muli %add3A_128, %mul3A_181 : i32
        %add3A_183 = arith.constant 1 : i32
        %add3A_184 = arith.addi %mul3A_182, %add3A_183 : i32
        %dma_start3A_185 = arith.constant 0 : i32
        %dma_start3A_186 = arith.constant 0 : i32
        %dma_start3A_187 = arith.constant 128 : i32
        %dma_start3A_188 = arith.constant 0 : i32
        %dma_start3A_189 = tpu.memref_slice %arg5[%dma_start3A_185, %dma_start3A_187, %dma_start3A_188] : memref<2x256x128xf32, #tpu.memory_space<vmem>> -> memref<1x128x128xf32, #tpu.memory_space<vmem>>
        %dma_start3A_190 = tpu.memref_squeeze %dma_start3A_189 : memref<1x128x128xf32, #tpu.memory_space<vmem>> -> memref<128x128xf32, #tpu.memory_space<vmem>>
        %dma_start3A_191 = arith.constant 0 : i32
        %dma_start3A_192 = tpu.memref_slice %arg6[%add3A_184, %dma_start3A_191] : memref<80x128xi32, #tpu.memory_space<vmem>> -> memref<1x128xi32, #tpu.memory_space<vmem>>
        %dma_start3A_193 = tpu.memref_squeeze %dma_start3A_192 : memref<1x128xi32, #tpu.memory_space<vmem>> -> memref<128xi32, #tpu.memory_space<vmem>>
        %dma_start3A_194 = arith.constant 0 : i32
        %dma_start3A_195 = arith.constant 0 : i32
        %dma_start3A_196 = tpu.memref_slice %arg8[%dma_start3A_194, %dma_start3A_195] : memref<1024x128xf32, #tpu.memory_space<vmem_shared>> -> memref<1024x128xf32, #tpu.memory_space<vmem_shared>>
        %dma_start3A_197 = tpu.memref_slice %arg10[%dma_start3A_186] : memref<2x!tpu.dma_semaphore, #tpu.memory_space<semaphore_mem>> -> memref<1x!tpu.dma_semaphore, #tpu.memory_space<semaphore_mem>>
        %dma_start3A_198 = tpu.memref_squeeze %dma_start3A_197 : memref<1x!tpu.dma_semaphore, #tpu.memory_space<semaphore_mem>> -> memref<!tpu.dma_semaphore, #tpu.memory_space<semaphore_mem>>
        tpu.enqueue_indirect_dma source(%dma_start3A_190 : memref<128x128xf32, #tpu.memory_space<vmem>>) target(%dma_start3A_196 : memref<1024x128xf32, #tpu.memory_space<vmem_shared>>) offsets(%dma_start3A_193 : memref<128xi32, #tpu.memory_space<vmem>>) semaphore(%dma_start3A_198 : memref<!tpu.dma_semaphore, #tpu.memory_space<semaphore_mem>>) {add = true}
      } else {
      }
      %add3A_132 = arith.constant 1 : i32
      %add3A_133 = arith.addi %add3A_126, %add3A_132 : i32
      %add3A_134 = arith.constant 1 : i32
      %add3A_135 = arith.addi %add3A_133, %add3A_134 : i32
      %lt3A_136 = arith.cmpi slt, %add3A_133, %select_n3A : i32
      %convert_element_type3A_137 = arith.extui %lt3A_136 : i1 to i32
      %cond3A_138 = arith.constant 0 : i32
      %cond3A_139 = arith.cmpi ne, %convert_element_type3A_137, %cond3A_138 : i32
      scf.if %cond3A_139 {
        %lt3A_140 = arith.cmpi slt, %add3A_135, %select_n3A : i32
        %convert_element_type3A_141 = arith.extui %lt3A_140 : i1 to i32
        %cond3A_142 = arith.constant 0 : i32
        %cond3A_143 = arith.cmpi ne, %convert_element_type3A_141, %cond3A_142 : i32
        scf.if %cond3A_143 {
          %ge3A = arith.constant 1 : i32
          %ge3A_199 = arith.cmpi sge, %add3A_133, %ge3A : i32
          %convert_element_type3A_200 = arith.extui %ge3A_199 : i1 to i32
          %cond3A_201 = arith.constant 0 : i32
          %cond3A_202 = arith.cmpi ne, %convert_element_type3A_200, %cond3A_201 : i32
          scf.if %cond3A_202 {
            %sub3A_222 = arith.constant 1 : i32
            %sub3A_223 = arith.subi %add3A_133, %sub3A_222 : i32
            %mul3A_224 = arith.constant 2 : i32
            %mul3A_225 = arith.muli %sub3A_223, %mul3A_224 : i32
            %add3A_226 = arith.constant 0 : i32
            %add3A_227 = arith.addi %mul3A_225, %add3A_226 : i32
            %mul3A_228 = arith.constant 2 : i32
            %mul3A_229 = arith.muli %sub3A_223, %mul3A_228 : i32
            %add3A_230 = arith.constant 1 : i32
            %add3A_231 = arith.addi %mul3A_229, %add3A_230 : i32
            %dma_wait3A_232 = arith.constant 0 : i32
            %dma_wait3A_233 = arith.constant 0 : i32
            %dma_wait3A_234 = arith.constant 0 : i32
            %dma_wait3A_235 = arith.constant 0 : i32
            %dma_wait3A_236 = tpu.memref_slice %arg5[%dma_wait3A_232, %dma_wait3A_234, %dma_wait3A_235] : memref<2x256x128xf32, #tpu.memory_space<vmem>> -> memref<1x128x128xf32, #tpu.memory_space<vmem>>
            %dma_wait3A_237 = tpu.memref_squeeze %dma_wait3A_236 : memref<1x128x128xf32, #tpu.memory_space<vmem>> -> memref<128x128xf32, #tpu.memory_space<vmem>>
            %dma_wait3A_238 = arith.constant 0 : i32
            %dma_wait3A_239 = tpu.memref_slice %arg6[%add3A_227, %dma_wait3A_238] : memref<80x128xi32, #tpu.memory_space<vmem>> -> memref<1x128xi32, #tpu.memory_space<vmem>>
            %dma_wait3A_240 = tpu.memref_squeeze %dma_wait3A_239 : memref<1x128xi32, #tpu.memory_space<vmem>> -> memref<128xi32, #tpu.memory_space<vmem>>
            %dma_wait3A_241 = arith.constant 0 : i32
            %dma_wait3A_242 = arith.constant 0 : i32
            %dma_wait3A_243 = tpu.memref_slice %arg8[%dma_wait3A_241, %dma_wait3A_242] : memref<1024x128xf32, #tpu.memory_space<vmem_shared>> -> memref<1024x128xf32, #tpu.memory_space<vmem_shared>>
            %dma_wait3A_244 = tpu.memref_slice %arg10[%dma_wait3A_233] : memref<2x!tpu.dma_semaphore, #tpu.memory_space<semaphore_mem>> -> memref<1x!tpu.dma_semaphore, #tpu.memory_space<semaphore_mem>>
            %dma_wait3A_245 = tpu.memref_squeeze %dma_wait3A_244 : memref<1x!tpu.dma_semaphore, #tpu.memory_space<semaphore_mem>> -> memref<!tpu.dma_semaphore, #tpu.memory_space<semaphore_mem>>
            tpu.wait_indirect_dma semaphore(%dma_wait3A_245 : memref<!tpu.dma_semaphore, #tpu.memory_space<semaphore_mem>>) src(%dma_wait3A_237 : memref<128x128xf32, #tpu.memory_space<vmem>>) dst(%dma_wait3A_243 : memref<1024x128xf32, #tpu.memory_space<vmem_shared>>)
            %dma_wait3A_246 = arith.constant 0 : i32
            %dma_wait3A_247 = arith.constant 0 : i32
            %dma_wait3A_248 = arith.constant 128 : i32
            %dma_wait3A_249 = arith.constant 0 : i32
            %dma_wait3A_250 = tpu.memref_slice %arg5[%dma_wait3A_246, %dma_wait3A_248, %dma_wait3A_249] : memref<2x256x128xf32, #tpu.memory_space<vmem>> -> memref<1x128x128xf32, #tpu.memory_space<vmem>>
            %dma_wait3A_251 = tpu.memref_squeeze %dma_wait3A_250 : memref<1x128x128xf32, #tpu.memory_space<vmem>> -> memref<128x128xf32, #tpu.memory_space<vmem>>
            %dma_wait3A_252 = arith.constant 0 : i32
            %dma_wait3A_253 = tpu.memref_slice %arg6[%add3A_231, %dma_wait3A_252] : memref<80x128xi32, #tpu.memory_space<vmem>> -> memref<1x128xi32, #tpu.memory_space<vmem>>
            %dma_wait3A_254 = tpu.memref_squeeze %dma_wait3A_253 : memref<1x128xi32, #tpu.memory_space<vmem>> -> memref<128xi32, #tpu.memory_space<vmem>>
            %dma_wait3A_255 = arith.constant 0 : i32
            %dma_wait3A_256 = arith.constant 0 : i32
            %dma_wait3A_257 = tpu.memref_slice %arg8[%dma_wait3A_255, %dma_wait3A_256] : memref<1024x128xf32, #tpu.memory_space<vmem_shared>> -> memref<1024x128xf32, #tpu.memory_space<vmem_shared>>
            %dma_wait3A_258 = tpu.memref_slice %arg10[%dma_wait3A_247] : memref<2x!tpu.dma_semaphore, #tpu.memory_space<semaphore_mem>> -> memref<1x!tpu.dma_semaphore, #tpu.memory_space<semaphore_mem>>
            %dma_wait3A_259 = tpu.memref_squeeze %dma_wait3A_258 : memref<1x!tpu.dma_semaphore, #tpu.memory_space<semaphore_mem>> -> memref<!tpu.dma_semaphore, #tpu.memory_space<semaphore_mem>>
            tpu.wait_indirect_dma semaphore(%dma_wait3A_259 : memref<!tpu.dma_semaphore, #tpu.memory_space<semaphore_mem>>) src(%dma_wait3A_251 : memref<128x128xf32, #tpu.memory_space<vmem>>) dst(%dma_wait3A_257 : memref<1024x128xf32, #tpu.memory_space<vmem_shared>>)
          } else {
          }
          %mul3A_203 = arith.constant 256 : i32
          %mul3A_204 = arith.muli %add3A_135, %mul3A_203 : i32
          %add3A_205 = arith.addi %mul3A_2, %mul3A_204 : i32
          %dma_start3A_206 = arith.constant 0 : i32
          %dma_start3A_207 = arith.constant 0 : i32
          %dma_start3A_208 = arith.constant 0 : i32
          %dma_start3A_209 = arith.constant 0 : i32
          %dma_start3A_210 = tpu.memref_slice %arg5[%dma_start3A_206, %dma_start3A_208, %dma_start3A_209] : memref<2x256x128xf32, #tpu.memory_space<vmem>> -> memref<1x256x128xf32, #tpu.memory_space<vmem>>
          %dma_start3A_211 = tpu.memref_squeeze %dma_start3A_210 : memref<1x256x128xf32, #tpu.memory_space<vmem>> -> memref<256x128xf32, #tpu.memory_space<vmem>>
          %dma_start3A_212 = arith.constant 0 : i32
          %dma_start3A_213 = tpu.memref_slice %arg2[%add3A_205, %dma_start3A_212] : memref<320000x128xf32, #tpu.memory_space<hbm>> -> memref<256x128xf32, #tpu.memory_space<hbm>>
          %dma_start3A_214 = tpu.memref_slice %arg9[%dma_start3A_207] : memref<2x!tpu.dma_semaphore, #tpu.memory_space<semaphore_mem>> -> memref<1x!tpu.dma_semaphore, #tpu.memory_space<semaphore_mem>>
          %dma_start3A_215 = tpu.memref_squeeze %dma_start3A_214 : memref<1x!tpu.dma_semaphore, #tpu.memory_space<semaphore_mem>> -> memref<!tpu.dma_semaphore, #tpu.memory_space<semaphore_mem>>
          %dma_start3A_216 = arith.constant 0 : i32
          %dma_start3A_217 = arith.constant 0 : i32
          %dma_start3A_218 = tpu.memref_slice %arg5[%dma_start3A_206, %dma_start3A_216, %dma_start3A_217] : memref<2x256x128xf32, #tpu.memory_space<vmem>> -> memref<1x256x128xf32, #tpu.memory_space<vmem>>
          %dma_start3A_219 = tpu.memref_squeeze %dma_start3A_218 : memref<1x256x128xf32, #tpu.memory_space<vmem>> -> memref<256x128xf32, #tpu.memory_space<vmem>>
          %dma_start3A_220 = arith.constant 0 : i32
          %dma_start3A_221 = tpu.memref_slice %arg2[%add3A_205, %dma_start3A_220] : memref<320000x128xf32, #tpu.memory_space<hbm>> -> memref<256x128xf32, #tpu.memory_space<hbm>>
          tpu.enqueue_dma source(%dma_start3A_221 : memref<256x128xf32, #tpu.memory_space<hbm>>) target(%dma_start3A_219 : memref<256x128xf32, #tpu.memory_space<vmem>>) target_semaphore(%dma_start3A_215 : memref<!tpu.dma_semaphore, #tpu.memory_space<semaphore_mem>>)
        } else {
        }
        %mul3A_144 = arith.constant 256 : i32
        %mul3A_145 = arith.muli %add3A_133, %mul3A_144 : i32
        %add3A_146 = arith.addi %mul3A_2, %mul3A_145 : i32
        %dma_wait3A_147 = arith.constant 1 : i32
        %dma_wait3A_148 = arith.constant 1 : i32
        %dma_wait3A_149 = arith.constant 0 : i32
        %dma_wait3A_150 = arith.constant 0 : i32
        %dma_wait3A_151 = tpu.memref_slice %arg5[%dma_wait3A_147, %dma_wait3A_149, %dma_wait3A_150] : memref<2x256x128xf32, #tpu.memory_space<vmem>> -> memref<1x256x128xf32, #tpu.memory_space<vmem>>
        %dma_wait3A_152 = tpu.memref_squeeze %dma_wait3A_151 : memref<1x256x128xf32, #tpu.memory_space<vmem>> -> memref<256x128xf32, #tpu.memory_space<vmem>>
        %dma_wait3A_153 = arith.constant 0 : i32
        %dma_wait3A_154 = tpu.memref_slice %arg2[%add3A_146, %dma_wait3A_153] : memref<320000x128xf32, #tpu.memory_space<hbm>> -> memref<256x128xf32, #tpu.memory_space<hbm>>
        %dma_wait3A_155 = tpu.memref_slice %arg9[%dma_wait3A_148] : memref<2x!tpu.dma_semaphore, #tpu.memory_space<semaphore_mem>> -> memref<1x!tpu.dma_semaphore, #tpu.memory_space<semaphore_mem>>
        %dma_wait3A_156 = tpu.memref_squeeze %dma_wait3A_155 : memref<1x!tpu.dma_semaphore, #tpu.memory_space<semaphore_mem>> -> memref<!tpu.dma_semaphore, #tpu.memory_space<semaphore_mem>>
        %dma_wait3A_157 = arith.constant 0 : i32
        %dma_wait3A_158 = arith.constant 0 : i32
        %dma_wait3A_159 = tpu.memref_slice %arg5[%dma_wait3A_147, %dma_wait3A_157, %dma_wait3A_158] : memref<2x256x128xf32, #tpu.memory_space<vmem>> -> memref<1x256x128xf32, #tpu.memory_space<vmem>>
        %dma_wait3A_160 = tpu.memref_squeeze %dma_wait3A_159 : memref<1x256x128xf32, #tpu.memory_space<vmem>> -> memref<256x128xf32, #tpu.memory_space<vmem>>
        %dma_wait3A_161 = arith.constant 0 : i32
        %dma_wait3A_162 = tpu.memref_slice %arg2[%add3A_146, %dma_wait3A_161] : memref<320000x128xf32, #tpu.memory_space<hbm>> -> memref<256x128xf32, #tpu.memory_space<hbm>>
        tpu.wait_dma2 semaphore(%dma_wait3A_156 : memref<!tpu.dma_semaphore, #tpu.memory_space<semaphore_mem>>) src(%dma_wait3A_162 : memref<256x128xf32, #tpu.memory_space<hbm>>) dst(%dma_wait3A_160 : memref<256x128xf32, #tpu.memory_space<vmem>>)
        %mul3A_163 = arith.constant 2 : i32
        %mul3A_164 = arith.muli %add3A_133, %mul3A_163 : i32
        %add3A_165 = arith.constant 0 : i32
        %add3A_166 = arith.addi %mul3A_164, %add3A_165 : i32
        %dma_start3A_167 = arith.constant 1 : i32
        %dma_start3A_168 = arith.constant 1 : i32
        %dma_start3A_169 = arith.constant 0 : i32
        %dma_start3A_170 = arith.constant 0 : i32
        %dma_start3A_171 = tpu.memref_slice %arg5[%dma_start3A_167, %dma_start3A_169, %dma_start3A_170] : memref<2x256x128xf32, #tpu.memory_space<vmem>> -> memref<1x128x128xf32, #tpu.memory_space<vmem>>
        %dma_start3A_172 = tpu.memref_squeeze %dma_start3A_171 : memref<1x128x128xf32, #tpu.memory_space<vmem>> -> memref<128x128xf32, #tpu.memory_space<vmem>>
        %dma_start3A_173 = arith.constant 0 : i32
        %dma_start3A_174 = tpu.memref_slice %arg6[%add3A_166, %dma_start3A_173] : memref<80x128xi32, #tpu.memory_space<vmem>> -> memref<1x128xi32, #tpu.memory_space<vmem>>
        %dma_start3A_175 = tpu.memref_squeeze %dma_start3A_174 : memref<1x128xi32, #tpu.memory_space<vmem>> -> memref<128xi32, #tpu.memory_space<vmem>>
        %dma_start3A_176 = arith.constant 0 : i32
        %dma_start3A_177 = arith.constant 0 : i32
        %dma_start3A_178 = tpu.memref_slice %arg8[%dma_start3A_176, %dma_start3A_177] : memref<1024x128xf32, #tpu.memory_space<vmem_shared>> -> memref<1024x128xf32, #tpu.memory_space<vmem_shared>>
        %dma_start3A_179 = tpu.memref_slice %arg10[%dma_start3A_168] : memref<2x!tpu.dma_semaphore, #tpu.memory_space<semaphore_mem>> -> memref<1x!tpu.dma_semaphore, #tpu.memory_space<semaphore_mem>>
        %dma_start3A_180 = tpu.memref_squeeze %dma_start3A_179 : memref<1x!tpu.dma_semaphore, #tpu.memory_space<semaphore_mem>> -> memref<!tpu.dma_semaphore, #tpu.memory_space<semaphore_mem>>
        tpu.enqueue_indirect_dma source(%dma_start3A_172 : memref<128x128xf32, #tpu.memory_space<vmem>>) target(%dma_start3A_178 : memref<1024x128xf32, #tpu.memory_space<vmem_shared>>) offsets(%dma_start3A_175 : memref<128xi32, #tpu.memory_space<vmem>>) semaphore(%dma_start3A_180 : memref<!tpu.dma_semaphore, #tpu.memory_space<semaphore_mem>>) {add = true}
        %mul3A_181 = arith.constant 2 : i32
        %mul3A_182 = arith.muli %add3A_133, %mul3A_181 : i32
        %add3A_183 = arith.constant 1 : i32
        %add3A_184 = arith.addi %mul3A_182, %add3A_183 : i32
        %dma_start3A_185 = arith.constant 1 : i32
        %dma_start3A_186 = arith.constant 1 : i32
        %dma_start3A_187 = arith.constant 128 : i32
        %dma_start3A_188 = arith.constant 0 : i32
        %dma_start3A_189 = tpu.memref_slice %arg5[%dma_start3A_185, %dma_start3A_187, %dma_start3A_188] : memref<2x256x128xf32, #tpu.memory_space<vmem>> -> memref<1x128x128xf32, #tpu.memory_space<vmem>>
        %dma_start3A_190 = tpu.memref_squeeze %dma_start3A_189 : memref<1x128x128xf32, #tpu.memory_space<vmem>> -> memref<128x128xf32, #tpu.memory_space<vmem>>
        %dma_start3A_191 = arith.constant 0 : i32
        %dma_start3A_192 = tpu.memref_slice %arg6[%add3A_184, %dma_start3A_191] : memref<80x128xi32, #tpu.memory_space<vmem>> -> memref<1x128xi32, #tpu.memory_space<vmem>>
        %dma_start3A_193 = tpu.memref_squeeze %dma_start3A_192 : memref<1x128xi32, #tpu.memory_space<vmem>> -> memref<128xi32, #tpu.memory_space<vmem>>
        %dma_start3A_194 = arith.constant 0 : i32
        %dma_start3A_195 = arith.constant 0 : i32
        %dma_start3A_196 = tpu.memref_slice %arg8[%dma_start3A_194, %dma_start3A_195] : memref<1024x128xf32, #tpu.memory_space<vmem_shared>> -> memref<1024x128xf32, #tpu.memory_space<vmem_shared>>
        %dma_start3A_197 = tpu.memref_slice %arg10[%dma_start3A_186] : memref<2x!tpu.dma_semaphore, #tpu.memory_space<semaphore_mem>> -> memref<1x!tpu.dma_semaphore, #tpu.memory_space<semaphore_mem>>
        %dma_start3A_198 = tpu.memref_squeeze %dma_start3A_197 : memref<1x!tpu.dma_semaphore, #tpu.memory_space<semaphore_mem>> -> memref<!tpu.dma_semaphore, #tpu.memory_space<semaphore_mem>>
        tpu.enqueue_indirect_dma source(%dma_start3A_190 : memref<128x128xf32, #tpu.memory_space<vmem>>) target(%dma_start3A_196 : memref<1024x128xf32, #tpu.memory_space<vmem_shared>>) offsets(%dma_start3A_193 : memref<128xi32, #tpu.memory_space<vmem>>) semaphore(%dma_start3A_198 : memref<!tpu.dma_semaphore, #tpu.memory_space<semaphore_mem>>) {add = true}
      } else {
      }
    }
    %sub3A_46 = arith.constant 2 : i32
    %sub3A_47 = arith.subi %select_n3A, %sub3A_46 : i32
    %mul3A_48 = arith.constant 2 : i32
    %mul3A_49 = arith.muli %sub3A_47, %mul3A_48 : i32
    %add3A_50 = arith.constant 0 : i32
    %add3A_51 = arith.addi %mul3A_49, %add3A_50 : i32
    %mul3A_52 = arith.constant 2 : i32
    %mul3A_53 = arith.muli %sub3A_47, %mul3A_52 : i32
    %add3A_54 = arith.constant 1 : i32
    %add3A_55 = arith.addi %mul3A_53, %add3A_54 : i32
    %dma_wait3A = arith.constant 0 : i32
    %dma_wait3A_56 = arith.constant 0 : i32
    %dma_wait3A_57 = arith.constant 0 : i32
    %dma_wait3A_58 = arith.constant 0 : i32
    %dma_wait3A_59 = tpu.memref_slice %arg5[%dma_wait3A, %dma_wait3A_57, %dma_wait3A_58] : memref<2x256x128xf32, #tpu.memory_space<vmem>> -> memref<1x128x128xf32, #tpu.memory_space<vmem>>
    %dma_wait3A_60 = tpu.memref_squeeze %dma_wait3A_59 : memref<1x128x128xf32, #tpu.memory_space<vmem>> -> memref<128x128xf32, #tpu.memory_space<vmem>>
    %dma_wait3A_61 = arith.constant 0 : i32
    %dma_wait3A_62 = tpu.memref_slice %arg6[%add3A_51, %dma_wait3A_61] : memref<80x128xi32, #tpu.memory_space<vmem>> -> memref<1x128xi32, #tpu.memory_space<vmem>>
    %dma_wait3A_63 = tpu.memref_squeeze %dma_wait3A_62 : memref<1x128xi32, #tpu.memory_space<vmem>> -> memref<128xi32, #tpu.memory_space<vmem>>
    %dma_wait3A_64 = arith.constant 0 : i32
    %dma_wait3A_65 = arith.constant 0 : i32
    %dma_wait3A_66 = tpu.memref_slice %arg8[%dma_wait3A_64, %dma_wait3A_65] : memref<1024x128xf32, #tpu.memory_space<vmem_shared>> -> memref<1024x128xf32, #tpu.memory_space<vmem_shared>>
    %dma_wait3A_67 = tpu.memref_slice %arg10[%dma_wait3A_56] : memref<2x!tpu.dma_semaphore, #tpu.memory_space<semaphore_mem>> -> memref<1x!tpu.dma_semaphore, #tpu.memory_space<semaphore_mem>>
    %dma_wait3A_68 = tpu.memref_squeeze %dma_wait3A_67 : memref<1x!tpu.dma_semaphore, #tpu.memory_space<semaphore_mem>> -> memref<!tpu.dma_semaphore, #tpu.memory_space<semaphore_mem>>
    tpu.wait_indirect_dma semaphore(%dma_wait3A_68 : memref<!tpu.dma_semaphore, #tpu.memory_space<semaphore_mem>>) src(%dma_wait3A_60 : memref<128x128xf32, #tpu.memory_space<vmem>>) dst(%dma_wait3A_66 : memref<1024x128xf32, #tpu.memory_space<vmem_shared>>)
    %dma_wait3A_69 = arith.constant 0 : i32
    %dma_wait3A_70 = arith.constant 0 : i32
    %dma_wait3A_71 = arith.constant 128 : i32
    %dma_wait3A_72 = arith.constant 0 : i32
    %dma_wait3A_73 = tpu.memref_slice %arg5[%dma_wait3A_69, %dma_wait3A_71, %dma_wait3A_72] : memref<2x256x128xf32, #tpu.memory_space<vmem>> -> memref<1x128x128xf32, #tpu.memory_space<vmem>>
    %dma_wait3A_74 = tpu.memref_squeeze %dma_wait3A_73 : memref<1x128x128xf32, #tpu.memory_space<vmem>> -> memref<128x128xf32, #tpu.memory_space<vmem>>
    %dma_wait3A_75 = arith.constant 0 : i32
    %dma_wait3A_76 = tpu.memref_slice %arg6[%add3A_55, %dma_wait3A_75] : memref<80x128xi32, #tpu.memory_space<vmem>> -> memref<1x128xi32, #tpu.memory_space<vmem>>
    %dma_wait3A_77 = tpu.memref_squeeze %dma_wait3A_76 : memref<1x128xi32, #tpu.memory_space<vmem>> -> memref<128xi32, #tpu.memory_space<vmem>>
    %dma_wait3A_78 = arith.constant 0 : i32
    %dma_wait3A_79 = arith.constant 0 : i32
    %dma_wait3A_80 = tpu.memref_slice %arg8[%dma_wait3A_78, %dma_wait3A_79] : memref<1024x128xf32, #tpu.memory_space<vmem_shared>> -> memref<1024x128xf32, #tpu.memory_space<vmem_shared>>
    %dma_wait3A_81 = tpu.memref_slice %arg10[%dma_wait3A_70] : memref<2x!tpu.dma_semaphore, #tpu.memory_space<semaphore_mem>> -> memref<1x!tpu.dma_semaphore, #tpu.memory_space<semaphore_mem>>
    %dma_wait3A_82 = tpu.memref_squeeze %dma_wait3A_81 : memref<1x!tpu.dma_semaphore, #tpu.memory_space<semaphore_mem>> -> memref<!tpu.dma_semaphore, #tpu.memory_space<semaphore_mem>>
    tpu.wait_indirect_dma semaphore(%dma_wait3A_82 : memref<!tpu.dma_semaphore, #tpu.memory_space<semaphore_mem>>) src(%dma_wait3A_74 : memref<128x128xf32, #tpu.memory_space<vmem>>) dst(%dma_wait3A_80 : memref<1024x128xf32, #tpu.memory_space<vmem_shared>>)
    %sub3A_83 = arith.constant 1 : i32
    %sub3A_84 = arith.subi %select_n3A, %sub3A_83 : i32
    %mul3A_85 = arith.constant 2 : i32
    %mul3A_86 = arith.muli %sub3A_84, %mul3A_85 : i32
    %add3A_87 = arith.constant 0 : i32
    %add3A_88 = arith.addi %mul3A_86, %add3A_87 : i32
    %mul3A_89 = arith.constant 2 : i32
    %mul3A_90 = arith.muli %sub3A_84, %mul3A_89 : i32
    %add3A_91 = arith.constant 1 : i32
    %add3A_92 = arith.addi %mul3A_90, %add3A_91 : i32
    %dma_wait3A_93 = arith.constant 1 : i32
    %dma_wait3A_94 = arith.constant 1 : i32
    %dma_wait3A_95 = arith.constant 0 : i32
    %dma_wait3A_96 = arith.constant 0 : i32
    %dma_wait3A_97 = tpu.memref_slice %arg5[%dma_wait3A_93, %dma_wait3A_95, %dma_wait3A_96] : memref<2x256x128xf32, #tpu.memory_space<vmem>> -> memref<1x128x128xf32, #tpu.memory_space<vmem>>
    %dma_wait3A_98 = tpu.memref_squeeze %dma_wait3A_97 : memref<1x128x128xf32, #tpu.memory_space<vmem>> -> memref<128x128xf32, #tpu.memory_space<vmem>>
    %dma_wait3A_99 = arith.constant 0 : i32
    %dma_wait3A_100 = tpu.memref_slice %arg6[%add3A_88, %dma_wait3A_99] : memref<80x128xi32, #tpu.memory_space<vmem>> -> memref<1x128xi32, #tpu.memory_space<vmem>>
    %dma_wait3A_101 = tpu.memref_squeeze %dma_wait3A_100 : memref<1x128xi32, #tpu.memory_space<vmem>> -> memref<128xi32, #tpu.memory_space<vmem>>
    %dma_wait3A_102 = arith.constant 0 : i32
    %dma_wait3A_103 = arith.constant 0 : i32
    %dma_wait3A_104 = tpu.memref_slice %arg8[%dma_wait3A_102, %dma_wait3A_103] : memref<1024x128xf32, #tpu.memory_space<vmem_shared>> -> memref<1024x128xf32, #tpu.memory_space<vmem_shared>>
    %dma_wait3A_105 = tpu.memref_slice %arg10[%dma_wait3A_94] : memref<2x!tpu.dma_semaphore, #tpu.memory_space<semaphore_mem>> -> memref<1x!tpu.dma_semaphore, #tpu.memory_space<semaphore_mem>>
    %dma_wait3A_106 = tpu.memref_squeeze %dma_wait3A_105 : memref<1x!tpu.dma_semaphore, #tpu.memory_space<semaphore_mem>> -> memref<!tpu.dma_semaphore, #tpu.memory_space<semaphore_mem>>
    tpu.wait_indirect_dma semaphore(%dma_wait3A_106 : memref<!tpu.dma_semaphore, #tpu.memory_space<semaphore_mem>>) src(%dma_wait3A_98 : memref<128x128xf32, #tpu.memory_space<vmem>>) dst(%dma_wait3A_104 : memref<1024x128xf32, #tpu.memory_space<vmem_shared>>)
    %dma_wait3A_107 = arith.constant 1 : i32
    %dma_wait3A_108 = arith.constant 1 : i32
    %dma_wait3A_109 = arith.constant 128 : i32
    %dma_wait3A_110 = arith.constant 0 : i32
    %dma_wait3A_111 = tpu.memref_slice %arg5[%dma_wait3A_107, %dma_wait3A_109, %dma_wait3A_110] : memref<2x256x128xf32, #tpu.memory_space<vmem>> -> memref<1x128x128xf32, #tpu.memory_space<vmem>>
    %dma_wait3A_112 = tpu.memref_squeeze %dma_wait3A_111 : memref<1x128x128xf32, #tpu.memory_space<vmem>> -> memref<128x128xf32, #tpu.memory_space<vmem>>
    %dma_wait3A_113 = arith.constant 0 : i32
    %dma_wait3A_114 = tpu.memref_slice %arg6[%add3A_92, %dma_wait3A_113] : memref<80x128xi32, #tpu.memory_space<vmem>> -> memref<1x128xi32, #tpu.memory_space<vmem>>
    %dma_wait3A_115 = tpu.memref_squeeze %dma_wait3A_114 : memref<1x128xi32, #tpu.memory_space<vmem>> -> memref<128xi32, #tpu.memory_space<vmem>>
    %dma_wait3A_116 = arith.constant 0 : i32
    %dma_wait3A_117 = arith.constant 0 : i32
    %dma_wait3A_118 = tpu.memref_slice %arg8[%dma_wait3A_116, %dma_wait3A_117] : memref<1024x128xf32, #tpu.memory_space<vmem_shared>> -> memref<1024x128xf32, #tpu.memory_space<vmem_shared>>
    %dma_wait3A_119 = tpu.memref_slice %arg10[%dma_wait3A_108] : memref<2x!tpu.dma_semaphore, #tpu.memory_space<semaphore_mem>> -> memref<1x!tpu.dma_semaphore, #tpu.memory_space<semaphore_mem>>
    %dma_wait3A_120 = tpu.memref_squeeze %dma_wait3A_119 : memref<1x!tpu.dma_semaphore, #tpu.memory_space<semaphore_mem>> -> memref<!tpu.dma_semaphore, #tpu.memory_space<semaphore_mem>>
    tpu.wait_indirect_dma semaphore(%dma_wait3A_120 : memref<!tpu.dma_semaphore, #tpu.memory_space<semaphore_mem>>) src(%dma_wait3A_112 : memref<128x128xf32, #tpu.memory_space<vmem>>) dst(%dma_wait3A_118 : memref<1024x128xf32, #tpu.memory_space<vmem_shared>>)
    %barrier3A_121 = arith.constant 0 : index
    tpu.barrier barrier_id(%barrier3A_121)
    %mul3A_122 = arith.constant 64 : i32
    %mul3A_123 = arith.muli %arg1, %mul3A_122 : i32
    "tpu.region"() ({
      %run_scoped3A = tpu.sem_alloc : memref<!tpu.dma_semaphore, #tpu.memory_space<semaphore_mem>>
      %dma_start3A_124 = arith.constant 0 : i32
      %dma_start3A_125 = tpu.memref_slice %arg8[%mul3A_123, %dma_start3A_124] : memref<1024x128xf32, #tpu.memory_space<vmem_shared>> -> memref<64x128xf32, #tpu.memory_space<vmem_shared>>
      %dma_start3A_126 = arith.constant 0 : i32
      %dma_start3A_127 = tpu.memref_slice %arg8[%mul3A_123, %dma_start3A_126] : memref<1024x128xf32, #tpu.memory_space<vmem_shared>> -> memref<64x128xf32, #tpu.memory_space<vmem_shared>>
      tpu.enqueue_dma source(%dma_start3A_127 : memref<64x128xf32, #tpu.memory_space<vmem_shared>>) target(%arg7 : memref<64x128xf32, #tpu.memory_space<vmem>>) target_semaphore(%run_scoped3A : memref<!tpu.dma_semaphore, #tpu.memory_space<semaphore_mem>>)
      %dma_wait3A_128 = arith.constant 0 : i32
      %dma_wait3A_129 = tpu.memref_slice %arg8[%mul3A_123, %dma_wait3A_128] : memref<1024x128xf32, #tpu.memory_space<vmem_shared>> -> memref<64x128xf32, #tpu.memory_space<vmem_shared>>
      %dma_wait3A_130 = arith.constant 0 : i32
      %dma_wait3A_131 = tpu.memref_slice %arg8[%mul3A_123, %dma_wait3A_130] : memref<1024x128xf32, #tpu.memory_space<vmem_shared>> -> memref<64x128xf32, #tpu.memory_space<vmem_shared>>
      tpu.wait_dma2 semaphore(%run_scoped3A : memref<!tpu.dma_semaphore, #tpu.memory_space<semaphore_mem>>) src(%dma_wait3A_131 : memref<64x128xf32, #tpu.memory_space<vmem_shared>>) dst(%arg7 : memref<64x128xf32, #tpu.memory_space<vmem>>)
      tpu.yield
    }) : () -> ()
    "tpu.region"() ({
      %run_scoped3A = tpu.sem_alloc : memref<!tpu.dma_semaphore, #tpu.memory_space<semaphore_mem>>
      %dma_start3A_124 = arith.constant 0 : i32
      %dma_start3A_125 = tpu.memref_slice %arg4[%arg0, %mul3A_123, %dma_start3A_124] : memref<2x1024x128xf32, #tpu.memory_space<hbm>> -> memref<1x64x128xf32, #tpu.memory_space<hbm>>
      %dma_start3A_126 = tpu.memref_squeeze %dma_start3A_125 : memref<1x64x128xf32, #tpu.memory_space<hbm>> -> memref<64x128xf32, #tpu.memory_space<hbm>>
      %dma_start3A_127 = arith.constant 0 : i32
      %dma_start3A_128 = tpu.memref_slice %arg4[%arg0, %mul3A_123, %dma_start3A_127] : memref<2x1024x128xf32, #tpu.memory_space<hbm>> -> memref<1x64x128xf32, #tpu.memory_space<hbm>>
      %dma_start3A_129 = tpu.memref_squeeze %dma_start3A_128 : memref<1x64x128xf32, #tpu.memory_space<hbm>> -> memref<64x128xf32, #tpu.memory_space<hbm>>
      tpu.enqueue_dma source(%arg7 : memref<64x128xf32, #tpu.memory_space<vmem>>) target(%dma_start3A_129 : memref<64x128xf32, #tpu.memory_space<hbm>>) target_semaphore(%run_scoped3A : memref<!tpu.dma_semaphore, #tpu.memory_space<semaphore_mem>>)
      %dma_wait3A_130 = arith.constant 0 : i32
      %dma_wait3A_131 = tpu.memref_slice %arg4[%arg0, %mul3A_123, %dma_wait3A_130] : memref<2x1024x128xf32, #tpu.memory_space<hbm>> -> memref<1x64x128xf32, #tpu.memory_space<hbm>>
      %dma_wait3A_132 = tpu.memref_squeeze %dma_wait3A_131 : memref<1x64x128xf32, #tpu.memory_space<hbm>> -> memref<64x128xf32, #tpu.memory_space<hbm>>
      %dma_wait3A_133 = arith.constant 0 : i32
      %dma_wait3A_134 = tpu.memref_slice %arg4[%arg0, %mul3A_123, %dma_wait3A_133] : memref<2x1024x128xf32, #tpu.memory_space<hbm>> -> memref<1x64x128xf32, #tpu.memory_space<hbm>>
      %dma_wait3A_135 = tpu.memref_squeeze %dma_wait3A_134 : memref<1x64x128xf32, #tpu.memory_space<hbm>> -> memref<64x128xf32, #tpu.memory_space<hbm>>
      tpu.wait_dma2 semaphore(%run_scoped3A : memref<!tpu.dma_semaphore, #tpu.memory_space<semaphore_mem>>) src(%arg7 : memref<64x128xf32, #tpu.memory_space<vmem>>) dst(%dma_wait3A_135 : memref<64x128xf32, #tpu.memory_space<hbm>>)
      tpu.yield
    }) : () -> ()
    return
  }
}

module attributes {stable_mosaic.version = 14 : i64} {
  func.func @_mm_body(%arg0: memref<2x1024x128xf32, #tpu.memory_space<vmem>>, %arg1: memref<128x128xf32, #tpu.memory_space<vmem>>, %arg2: memref<1x128xf32, #tpu.memory_space<vmem>>, %arg3: memref<1024x128xf32, #tpu.memory_space<vmem>>) attributes {dimension_semantics = [], scalar_prefetch = 0 : i64, scratch_operands = 0 : i64, tpu.core_type = #tpu.core_type<tc>} {
    %get3A = arith.constant 0 : index
    %get3A_0 = arith.constant 0 : index
    %get3A_1 = arith.constant 0 : index
    %get3A_2 = vector.load %arg0[%get3A, %get3A_0, %get3A_1] : memref<2x1024x128xf32, #tpu.memory_space<vmem>>, vector<1x1024x128xf32>
    %get3A_3 = vector.shape_cast %get3A_2 : vector<1x1024x128xf32> to vector<1024x128xf32>
    %get3A_4 = arith.constant 1 : index
    %get3A_5 = arith.constant 0 : index
    %get3A_6 = arith.constant 0 : index
    %get3A_7 = vector.load %arg0[%get3A_4, %get3A_5, %get3A_6] : memref<2x1024x128xf32, #tpu.memory_space<vmem>>, vector<1x1024x128xf32>
    %get3A_8 = vector.shape_cast %get3A_7 : vector<1x1024x128xf32> to vector<1024x128xf32>
    %add3A = arith.addf %get3A_3, %get3A_8 : vector<1024x128xf32>
    %get3A_9 = arith.constant 0 : index
    %get3A_10 = arith.constant 0 : index
    %get3A_11 = vector.load %arg1[%get3A_9, %get3A_10] : memref<128x128xf32, #tpu.memory_space<vmem>>, vector<128x128xf32>
    %dot_general3A = arith.constant dense<0.000000e+00> : vector<1024x128xf32>
    %dot_general3A_12 = tpu.matmul %add3A, %get3A_11, %dot_general3A {dimension_numbers = #tpu.dot_dimension_numbers<[1], [1], [0], [0], [0, 0, 1, 0], [], []>, transpose_lhs_hint = false} : vector<1024x128xf32>, vector<128x128xf32>, vector<1024x128xf32> -> vector<1024x128xf32>
    %get3A_13 = arith.constant 0 : index
    %get3A_14 = arith.constant 0 : index
    %get3A_15 = vector.load %arg2[%get3A_13, %get3A_14] : memref<1x128xf32, #tpu.memory_space<vmem>>, vector<1x128xf32>
    %add3A_16 = vector.broadcast %get3A_15 : vector<1x128xf32> to vector<1024x128xf32>
    %add3A_17 = arith.addf %dot_general3A_12, %add3A_16 : vector<1024x128xf32>
    %swap3A = arith.constant 0 : index
    %swap3A_18 = arith.constant 0 : index
    %swap3A_19 = vector.load %arg3[%swap3A, %swap3A_18] : memref<1024x128xf32, #tpu.memory_space<vmem>>, vector<1024x128xf32>
    tpu.vector_store %arg3[%swap3A, %swap3A_18], %add3A_17 {strides = array<i32>} : memref<1024x128xf32, #tpu.memory_space<vmem>>, vector<1024x128xf32>,
    return
  }
}

</mosaic_0001>

<sc_bundles>
// kernel: kernel.4.cloned.1.call-start
scs
__scs_entry_jumppad:
0x0: {  	(pc) =	sbr.rel $0x88, $3  }
0x1: {  	(tag) =	ssettag $0x0;
	lr =	simm.s32 $0x1  }
0x2: {  	[smem:$0x3F9D] =	sst lr;
	_ =	strace $0xD0000000  }
0x3: {  	_ = 	snop  }
0x4: {  	_ = 	snop  }
0x5: {  	_ = 	snop  }
0x6: {  	_ = 	snop  }
0x7: {  	_ = 	snop  }
__scs_overlays_trampoline_lowered:
0x8: {  	[smem:$0x3FAC] =	sst s0  }
0x9: {  	[smem:$0x3FAD] =	sst s1  }
0xa: {  	[smem:$0x3FAE] =	sst s2  }
0xb: {  	[smem:$0x3FAF] =	sst s3  }
0xc: {  	[smem:$0x3FB0] =	sst s4  }
0xd: {  	[smem:$0x3FB1] =	sst s5  }
0xe: {  	[smem:$0x3FB2] =	sst s6  }
0xf: {  	[smem:$0x3FB3] =	sst s7  }
0x10: {  	[smem:$0x3FB4] =	sst s8  }
0x11: {  	[smem:$0x3FB5] =	sst s9;
	s0 =	simm.s32 @!p0 $0x0  }
0x12: {  	s1 =	sld [smem:$0x3F9B];
	s0 =	simm.s32 @p0 $0x1  }
0x13: {  	[smem:$0x3FB6] =	sst s0;
	s0 =	simm.s32 @!p1 $0x0  }
0x14: {  	s2 =	sld [smem:$0x3F9A];
	s0 =	simm.s32 @p1 $0x1  }
0x15: {  	[smem:$0x3FB7] =	sst s0;
	s0 =	simm.s32 @!p2 $0x0  }
0x16: {  	s3 =	sld [smem:$0x3FDB];
	s0 =	simm.s32 @p2 $0x1  }
0x17: {  	s4 =	simm.s32 $0x1BF5;
	[smem:$0x3FB9] =	sst s0  }
0x18: {  	s0 =	sld [smem:$0x3F9C];
	_ =	swait.ge [sflag:s4], $0x0  }
0x19: {  	s7 =	sld [smem:$0x3F9D]  }
0x1a: {  	s8 =	sadd.s32 $0xFFFFE003, lr  }
0x1b: {  	s9 =	sadd.s32 $0xFFFFFEF7, lr;
	s5 =	simm.s32 $0xFFFFFFFF;
	p2 =	slt.u32 s8, $0xFFFFF086  }
0x1c: {  	p1 =	slt.u32 s9, $0xF7A;
	s5 =	simm.s32 @!p2 $0x0  }
0x1d: {  	s5 =	simm.s32 @p1 $0x1;
	p0 =	seq.s32 s7, s2  }
0x1e: {  	s7 =	smul.u32 @!p0 $0xF7A, s2;
	p2 =	seq.s32 @!p0 s5, $0x0  }
0x1f: {  	s9 =	smul.u32 $0xF7A, s1;
	s8 =	simm.s32 @!p0 $0x1BF5;
	p2 =	por !p2, p0  }
0x20: {  	[sflag:s8] =	ssyncset.s32 @!p0 $0xFFFFF086;
	s6 =	sadd.s32 @!p0 s3, s7;
	s7 =	simm.s32 @!p0 $0x108  }
0x21: {  	s3 =	sadd.s32 s3, s9;
	s6 =	sadd.s32 @!p0 $0x88, s6;
	s7 =	simm.s32 @p2 $0x1082  }
0x22: {  	[simem:s7], [sflag:s8] =	dma.local @!p0 [hbm:s6], $0xF7A  }
0x23: {  	s9 =	sor.u32 $0xD0000000, s2;
	s6 =	simm.s32 $0x108;
	_ =	swait.ge @!p0 [sflag:s8], $0x0  }
0x24: {  	s3 =	sadd.s32 $0x88, s3;
	s6 =	simm.s32 @!p1 $0x1082;
	[sflag:s4] =	ssyncset.s32 $0xFFFFF086  }
0x25: {  	[simem:s6], [sflag:s4] =	dma.local [hbm:s3], $0xF7A  }
0x26: {  	[smem:$0x3F9D] =	sst s1;
	(tag) =	ssettag s2;
	_ =	strace s9  }
0x27: {  	s1 =	sld [smem:$0x3FAD]  }
0x28: {  	s2 =	sld [smem:$0x3FAE]  }
0x29: {  	s4 =	sld [smem:$0x3FB0]  }
0x2a: {  	p0 =	seq.s32 s5, $0x0;
	s5 =	sld [smem:$0x3FB1]  }
0x2b: {  	s6 =	sld [smem:$0x3FB2]  }
0x2c: {  	s7 =	sld [smem:$0x3FB3]  }
0x2d: {  	s3 =	simm.s32 $0x108;
	s8 =	sld [smem:$0x3FB4]  }
0x2e: {  	s3 =	simm.s32 @!p0 $0x1082;
	s9 =	sld [smem:$0x3FB5]  }
0x2f: {  	lr =	sadd.s32 s0, s3;
	s0 =	sld [smem:$0x3FAC]  }
0x30: {  	s3 =	sld [smem:$0x3FAF]  }
0x31: {  	[smem:$0x3FB8] =	sst s10  }
0x32: {  	s10 =	sld [smem:$0x3FB6];
	_ =	sdelay $0x3  }
0x33: {  	p0 =	seq.s32 s10, $0x1;
	s10 =	sld [smem:$0x3FB8];
	_ =	sdelay $0x3  }
0x34: {  	[smem:$0x3FB8] =	sst s10  }
0x35: {  	s10 =	sld [smem:$0x3FB7];
	_ =	sdelay $0x3  }
0x36: {  	p1 =	seq.s32 s10, $0x1;
	s10 =	sld [smem:$0x3FB8];
	_ =	sdelay $0x3  }
0x37: {  	[smem:$0x3FB8] =	sst s10  }
0x38: {  	s10 =	sld [smem:$0x3FB9]  }
0x39: {  	_ = 	snop;
	(pc) =	sbr.ind lr, $3  }
0x3a: {  	_ = 	snop  }
0x3b: {  	_ = 	snop  }
0x3c: {  	p2 =	seq.s32 s10, $0x1;
	s10 =	sld [smem:$0x3FB8]  }
0x3d: {  	_ =	shalt  }
0x3e: {  	_ =	shalt  }
0x3f: {  	_ =	shalt  }
0x40: {  	_ =	shalt  }
0x41: {  	_ =	shalt  }
0x42: {  	_ =	shalt  }
0x43: {  	_ =	shalt  }
0x44: {  	_ =	shalt  }
0x45: {  	_ =	shalt  }
0x46: {  	_ =	shalt  }
0x47: {  	_ =	shalt  }
0x48: {  	_ =	shalt  }
0x49: {  	_ =	shalt  }
0x4a: {  	_ =	shalt  }
0x4b: {  	_ =	shalt  }
0x4c: {  	_ =	shalt  }
0x4d: {  	_ =	shalt  }
0x4e: {  	_ =	shalt  }
0x4f: {  	_ =	shalt  }
0x50: {  	_ =	shalt  }
0x51: {  	_ =	shalt  }
0x52: {  	_ =	shalt  }
0x53: {  	_ =	shalt  }
0x54: {  	_ =	shalt  }
0x55: {  	_ =	shalt  }
0x56: {  	_ =	shalt  }
0x57: {  	_ =	shalt  }
0x58: {  	_ =	shalt  }
0x59: {  	_ =	shalt  }
0x5a: {  	_ =	shalt  }
0x5b: {  	_ =	shalt  }
0x5c: {  	_ =	shalt  }
0x5d: {  	_ =	shalt  }
0x5e: {  	_ =	shalt  }
0x5f: {  	_ =	shalt  }
0x60: {  	_ =	shalt  }
0x61: {  	_ =	shalt  }
0x62: {  	_ =	shalt  }
0x63: {  	_ =	shalt  }
0x64: {  	_ =	shalt  }
0x65: {  	_ =	shalt  }
0x66: {  	_ =	shalt  }
0x67: {  	_ =	shalt  }
0x68: {  	_ =	shalt  }
0x69: {  	_ =	shalt  }
0x6a: {  	_ =	shalt  }
0x6b: {  	_ =	shalt  }
0x6c: {  	_ =	shalt  }
0x6d: {  	_ =	shalt  }
0x6e: {  	_ =	shalt  }
0x6f: {  	_ =	shalt  }
0x70: {  	_ =	shalt  }
0x71: {  	_ =	shalt  }
0x72: {  	_ =	shalt  }
0x73: {  	_ =	shalt  }
0x74: {  	_ =	shalt  }
0x75: {  	_ =	shalt  }
0x76: {  	_ =	shalt  }
0x77: {  	_ =	shalt  }
0x78: {  	_ =	shalt  }
0x79: {  	_ =	shalt  }
0x7a: {  	_ =	shalt  }
0x7b: {  	_ =	shalt  }
0x7c: {  	_ =	shalt  }
0x7d: {  	_ =	shalt  }
0x7e: {  	_ =	shalt  }
0x7f: {  	_ =	shalt  }
0x80: {  	_ =	shalt  }
0x81: {  	_ =	shalt  }
0x82: {  	_ =	shalt  }
0x83: {  	_ =	shalt  }
0x84: {  	_ =	shalt  }
0x85: {  	_ =	shalt  }
0x86: {  	_ =	shalt  }
0x87: {  	_ =	shalt  }
.Lfunc_end0:
.L_simem_size_0:
called_computation_lowered:
.L_overlay_start_0:
0x88: {  	s2 =	sld [smem:$0x3FD9]  }
0x89: {  	s3 =	sld [smem:$0x3FFE];
	_ =	sdelay $0x1  }
0x8a: {  	s1 =	srdreg.scid  }
0x8b: {  	s0 =	sand.u32 $0x1, s1  }
0x8c: {  	s17 =	sshll.u32 s0, $0xA;
	s2 =	sadd.s32 s3, s2  }
0x8d: {  	s2 =	sadd.s32 s2, s17  }
0x8e: {  	[smem:$0x3FC4] =	sst s2  }
0x8f: {  	_ = 	snop  }
0x90: {  	s2 =	sld [smem:$0x3FC9];
	(tm) =	ssettm $0x1  }
0x91: {  	s18 =	sld [smem:$0x3FFB];
	_ =	sdelay $0x3  }
0x92: {  	_ =	strace s18  }
0x93: {  	s3 =	sld [smem:$0x3FFC];
	_ =	sdelay $0x3  }
0x94: {  	_ =	strace s3  }
0x95: {  	s3 =	sld [smem:$0x3FFD];
	_ =	sdelay $0x3  }
0x96: {  	_ =	strace s3  }
0x97: {  	_ =	strace $0x8FFFFFFF  }
0x98: {  	s19 =	sld [smem:$0x3FDB];
	_ =	sdelay $0x1  }
0x99: {  	s4 =	simm.s32 $_scs_section_size  }
0x9a: {  	s5 =	simm.s32 $_size__tile_overlayer_lowered;
	s6 =	simm.s32 $_tile_overlayer_lowered  }
0x9b: {  	s22 =	simm.s32 $0x1BFF;
	s21 =	sshll.u32 s6, $0x1;
	s3 =	sadd.s32 s4, s19  }
0x9c: {  	s7 =	simm.s32 $0x0;
	s20 =	sshll.u32 s5, $0x1;
	s5 =	sadd.s32 s21, s3  }
0x9d: {  	[timem:s7], [sflag:s22] =	dma.local [hbm:s5], s20  }
0x9e: {  	_ =	swait.ge [sflag:s22], s20  }
0x9f: {  	s4 =	ssub.s32 $0x0, s20;
	[sflag:s22] =	ssyncset.done $0x0  }
0xa0: {  	[sflag:s22] =	ssyncadd.s32 s4;
	_ =	sdelay $0x1  }
0xa1: {  	s23 =	simm.s32 $0x1B8B  }
0xa2: {  	_ =	swait.ge [sflag:s23], $0x1  }
0xa3: {  	[sflag:s23] =	ssyncset.done $0x0  }
0xa4: {  	s25 =	simm.s32 $0x1B8E;
	s24 =	sld [smem:$0x3FFE];
	[sflag:s23] =	ssyncadd.s32 $0xFFFFFFFF  }
0xa5: {  	s26 =	simm.s32 $execute0_lowered;
	[smem:$0x3FD2] =	sst s25  }
0xa6: {  	s5 =	sshll.u32 s26, $0x1;
	_ =	strace $0x80000046;
	[dreg:$0x1] =	wrdreg $0xFFFFFFFF  }
0xa7: {  	s28 =	simm.s32 $_size_execute0_lowered;
	s3 =	sadd.s32 s3, s5;
	[dreg:$0x0] =	wrdreg $0x0  }
0xa8: {  	s5 =	sshll.u32 s28, $0x1;
	[dreg:$0x2] =	wrdreg s3  }
0xa9: {  	[dreg:$0x3] =	wrdreg s5  }
0xaa: {  	[dreg:$0x4] =	wrdreg $0xC0  }
0xab: {  	_ =	task [dreg:s7], $0x5FFFF  }
0xac: {  	[dreg:$0x1] =	wrdreg $0xFFFFFFFF  }
0xad: {  	[dreg:$0x0] =	wrdreg $0x60  }
0xae: {  	[dreg:$0x2] =	wrdreg s2  }
0xaf: {  	[dreg:$0x3] =	wrdreg s24  }
0xb0: {  	[dreg:$0x4] =	wrdreg $0x148000  }
0xb1: {  	[dreg:$0x5] =	wrdreg $0x9  }
0xb2: {  	_ =	task.clear_ibuf [dreg:s7], $0x6FFFF;
	_ =	strace $0x90000046  }
0xb3: {  	s29 =	simm.s32 $0x9;
	_ =	strace $0x80000048  }
0xb4: {  	_ =	swait.ge [sflag:s29], $0x1  }
0xb5: {  	[sflag:s29] =	ssyncadd.s32 $0xFFFFFFFF  }
0xb6: {  	_ =	strace $0x90000048  }
0xb7: {  	_ =	sfence  }
0xb8: {  	s30 =	sld [smem:$0x0];
	_ =	sdelay $0x2  }
0xb9: {  	s31 =	sshll.u32 s1, $0xD;
	s1 =	sshrl.u32 s1, $0x2  }
0xba: {  	s3 =	sand.u32 $0x4000, s31;
	s1 =	sadd.s32 s1, s30  }
0xbb: {  	s0 =	sor.u32 s3, s0;
	s1 =	sshll.u32 s1, $0x11  }
0xbc: {  	s0 =	sor.u32 s1, s0  }
0xbd: {  	s0 =	sadd.s32 $0x8F2B, s0  }
0xbe: {  	[sflag:s0] =	ssyncadd.remote.s32 $0x1  }
0xbf: {  	_ =	sfence.sel $0xFFFF  }
0xc0: {  	[dreg:$0x0] =	wrdreg $0xFFFFFFFF;
	(pc) =	sbr.abs _section_cstart, $3  }
0xc1: {  	[dreg:$0x1] =	wrdreg $0xFFFFFFFF  }
0xc2: {  	_ =	task.clear_ibuf [dreg:s7], $0x2FFFF;
	_ =	strace $0x9FFFFFFF  }
0xc3: {  	(tm) =	ssettm $0x7FFFFFFF  }
tec
execute0_lowered:
.L_overlay_start_1:
0x0: {  	(tag) =	ssettag $0x1  }
0x1: {  	s0 =	rddreg [dreg:$0x0]  }
0x2: {  	s3 =	rddreg [dreg:$0x1]  }
0x3: {  	s1 =	srdreg.scid;
	s2 =	rddreg [dreg:$0x2]  }
0x4: {  	s12 =	stileid.u32;
	s23 =	simm.s32 $0x0;
	s1 =	sand.u32 $0x1, s1  }
0x5: {  	[smem:$0x7FF] =	sst s23;
	s21 =	smul.u32 $0x140000, s12;
	s4 =	sshll.u32 s1, $0x4  }
0x6: {  	s17 =	sshll.u32 s12, $0xA;
	s18 =	smul.u32 $0x1400000, s1;
	s6 =	sor.u32 s12, s4  }
0x7: {  	s20 =	sshll.u32 s12, $0xD;
	_ =	strace $0x80000047;
	s4 =	smul.u32 $0x500, s6  }
0x8: {  	s8 =	ssub.s32 $0x2, s1;
	s1 =	sshll.u32 s1, $0xE;
	s10 =	smul.u32 $0x28000, s6  }
0x9: {  	s9 =	sshrl.u32 s8, $0x1;
	p0 =	seq.s32 s6, $0x1F;
	s11 =	smul.u32 $0x140000, s6  }
0xa: {  	s8 =	ssub.s32 s8, s9;
	s6 =	sadd.s32 s20, s2;
	s20 =	simm.s32 $0x8000  }
0xb: {  	s8 =	smax.u32 s8, $0x1;
	s7 =	sadd.s32 s4, s3;
	s3 =	sadd.s32 s17, s3  }
0xc: {  	s4 =	simm.s32 $0xA;
	s10 =	sadd.s32 s0, s10;
	s22 =	sshrl.u32 s11, $0x3  }
0xd: {  	[dreg:$0x7] =	wrdreg s8;
	s17 =	simm.s32 $0x10000;
	s4 =	simm.s32 @!p0 $0x28  }
0xe: {  	s19 =	sadd.s32 $0xA00, s7;
	[dreg:$0x5] =	wrdreg s10;
	s1 =	sadd.s32 s1, s3  }
0xf: {  	s7 =	sadd.s32 s21, s18;
	s24 =	sadd.s32 s22, s0;
	s18 =	simm.s32 $0x5  }
0x10: {  	s21 =	simm.s32 $0x1;
	s22 =	simm.s32 $0x80;
	[dreg:$0x4] =	wrdreg s19  }
0x11: {  	s1 =	sadd.s32 $0xAA00, s1;
	s25 =	sor.u32 $0x30000, s7;
	s26 =	sadd.s32 $0x1000, s24  }
0x12: {  	s28 =	sshll.u32 s4, $0xC;
	s29 =	sor.u32 $0x28000, s7;
	s31 =	sor.u32 $0x18000, s7  }
0x13: {  	s7 =	sor.u32 $0x20000, s7;
	s19 =	simm.s32 $0x12800;
	[dreg:$0x6] =	wrdreg s1  }
0x14: {  	[dreg:$0x8] =	wrdreg s26;
	s3 =	sshrl.u32 s25, $0x3;
	s1 =	sadd.s32 $0x2000, s24  }
0x15: {  	s12 =	sadd.s32 $0xFFFFC000, s28;
	s7 =	sshrl.u32 s7, $0x3;
	s25 =	simm.s32 $0x3  }
0x16: {  	s26 =	simm.s32 $0x2;
	[dreg:$0x9] =	wrdreg s1;
	s1 =	sshrl.u32 s29, $0x3  }
0x17: {  	s3 =	sadd.s32 s3, s0;
	s16 =	sadd.s32 s7, s0;
	s1 =	sadd.s32 s1, s0  }
0x18: {  	s13 =	sadd.s32 $0xFFFFE000, s3;
	s3 =	sshrl.u32 s31, $0x3;
	s14 =	sadd.s32 $0xFFFFE000, s1  }
0x19: {  	v0 =	vimm.f32 $0.0e+00;
	s15 =	sadd.s32 s3, s0;
	s0 =	simm.s32 $0x4;
	s1 =	simm.s32 $0x0  }
.LBB2_1:
0x1a: {  	s3 =	rddreg [dreg:$0x4]  }
0x1b: {  	[tilespmem:s17], [sflag:$0x5] =	stream.linear.gather [hbm4b:s3+s23], $0x2800, $0x38;
	[tilespmem:$0x16800] =	vst v63  }
0x1c: {  	_ =	swait.ge [sflag:s18], $0x2800  }
0x1d: {  	[sflag:s18] =	ssyncset.done $0x0  }
0x1e: {  	s7 =	simm.s32 $0x200;
	s3 =	simm.s32 $0x0;
	[sflag:s18] =	ssyncadd.s32 $0xFFFFD800  }
.LBB2_2:
0x1f: {  	p0 =	sne.s32 s7, $0x7E00;
	[tilespmem:s3+$0x12870] =	vst v0  }
0x20: {  	[tilespmem:s3+$0x12800] =	vst v0  }
0x21: {  	[tilespmem:s3+$0x12810] =	vst v0  }
.Ltmp0:
0x22: {  	[tilespmem:s3+$0x12820] =	vst v0;
	(pc) =	sbr.rel @p0 .LBB2_2-.Ltmp0, $4  }
0x23: {  	[tilespmem:s3+$0x12830] =	vst v0  }
0x24: {  	[tilespmem:s3+$0x12840] =	vst v0  }
0x25: {  	[tilespmem:s3+$0x12850] =	vst v0  }
0x26: {  	[tilespmem:s3+$0x12860] =	vst v0;
	s3 =	sshra.s32 s7, $0x2;
	s7 =	sadd.s32 $0x200, s7  }
0x27: {  	[tilespmem:s3+$0x12870] =	vst v0  }
0x28: {  	[tilespmem:s3+$0x12800] =	vst v0  }
0x29: {  	[tilespmem:s3+$0x12810] =	vst v0  }
0x2a: {  	[tilespmem:s3+$0x12820] =	vst v0  }
0x2b: {  	[tilespmem:s3+$0x12830] =	vst v0  }
0x2c: {  	[tilespmem:s3+$0x12840] =	vst v0  }
0x2d: {  	[tilespmem:s3+$0x12850] =	vst v0  }
0x2e: {  	[tilespmem:s3+$0x12860] =	vst v0  }
0x2f: {  	[spmem:s6] =	stream.linear.scatter [tilespmem:s19], [sflag:$0x5], $0x2000, $0x38;
	[tilespmem:$0x16800] =	vst v63  }
0x30: {  	_ =	swait.ge [sflag:s18], $0x2000  }
0x31: {  	[sflag:s18] =	ssyncset.done $0x0  }
0x32: {  	[sflag:s18] =	ssyncadd.s32 $0xFFFFE000  }
0x33: {  	[bflag:$0x0] =	sbarrier.arrive $0xFFFF  }
0x34: {  	s24 =	simm.s32 $0x0;
	s7 =	rddreg [dreg:$0x5]  }
0x35: {  	[tilespmem:s24], [sflag:$0x1] =	stream.linear.gather [hbm4b:s7+s24], $0x8000, $0x38;
	[tilespmem:$0x16800] =	vst v63  }
0x36: {  	s8 =	rddreg [dreg:$0x8]  }
0x37: {  	[tilespmem:s20], [sflag:$0x2] =	stream.linear.gather [hbm4b:s8+s24], $0x8000, $0x38;
	[tilespmem:$0x16800] =	vst v63  }
0x38: {  	_ =	swait.ge [sflag:s21], $0x8000  }
0x39: {  	[sflag:s21] =	ssyncset.done $0x0  }
0x3a: {  	[sflag:s21] =	ssyncadd.s32 $0xFFFF8000  }
0x3b: {  	[spmem:s2] =	stream.indirect.scatter.add.f32 [tilespmem:s24], [sflag:$0x3], $0x80, s17, s22, $0xb8;
	[tilespmem:$0x16800] =	vst v63  }
0x3c: {  	s9 =	simm.s32 $0x10080;
	s7 =	simm.s32 $0x4000  }
0x3d: {  	[spmem:s2] =	stream.indirect.scatter.add.f32 [tilespmem:s7], [sflag:$0x3], $0x80, s9, s22, $0xb8;
	[tilespmem:$0x16800] =	vst v63  }
0x3e: {  	_ =	swait.ge [sflag:s25], $0x4000  }
0x3f: {  	[sflag:s25] =	ssyncset.done $0x0  }
0x40: {  	[sflag:s25] =	ssyncadd.s32 $0xFFFFC000  }
0x41: {  	_ =	swait.ge [sflag:s25], $0x4000  }
0x42: {  	[sflag:s25] =	ssyncset.done $0x0  }
0x43: {  	s10 =	rddreg [dreg:$0x9];
	[sflag:s25] =	ssyncadd.s32 $0xFFFFC000  }
0x44: {  	[tilespmem:s24], [sflag:$0x1] =	stream.linear.gather [hbm4b:s10+s24], $0x8000, $0x38;
	[tilespmem:$0x16800] =	vst v63  }
0x45: {  	s11 =	simm.s32 $0x10100;
	s23 =	simm.s32 $0x10180;
	_ =	swait.ge [sflag:s26], $0x8000  }
0x46: {  	s29 =	simm.s32 $0xC000;
	p1 =	sne.s32 s12, $0x2000;
	[sflag:s26] =	ssyncset.done $0x0  }
.Ltmp1:
0x47: {  	s28 =	simm.s32 $0x4;
	[sflag:s26] =	ssyncadd.s32 $0xFFFF8000;
	(pc) =	sbr.rel @!p1 .LBB2_4-.Ltmp1, $4  }
0x48: {  	[spmem:s2] =	stream.indirect.scatter.add.f32 [tilespmem:s20], [sflag:$0x4], $0x80, s11, s22, $0xb8;
	[tilespmem:$0x16800] =	vst v63  }
0x49: {  	s31 =	simm.s32 $0x2000;
	p0 =	sle.u32 s4, $0x2;
	s3 =	simm.s32 $0x3  }
0x4a: {  	[spmem:s2] =	stream.indirect.scatter.add.f32 [tilespmem:s29], [sflag:$0x4], $0x80, s23, s22, $0xb8;
	[tilespmem:$0x16800] =	vst v63  }
0x4b: {  	p2 =	por $0x0, $0x0;
	p4 =	sle.u32 @!p0 s4, $0x3;
	s23 =	simm.s32 $0x10380  }
0x4c: {  	p1 =	por p4, p0  }
0x4d: {  	s3 =	simm.s32 @!p1 $0x4  }
0x4e: {  	_ =	swait.ge @!p1 [sflag:s3], $0x4000  }
0x4f: {  	[sflag:s3] =	ssyncset.done @!p1 $0x0  }
0x50: {  	[sflag:s3] =	ssyncadd.s32 @!p1 $0xFFFFC000  }
0x51: {  	_ =	swait.ge @!p1 [sflag:s3], $0x4000  }
0x52: {  	s8 =	simm.s32 @!p0 $0x1;
	s7 =	simm.s32 @!p1 $0x8000;
	[sflag:s3] =	ssyncset.done @!p1 $0x0  }
0x53: {  	s9 =	simm.s32 @!p1 $0x0;
	[sflag:s3] =	ssyncadd.s32 @!p1 $0xFFFFC000;
	s3 =	sadd.s32 @!p1 $0x0, s15  }
0x54: {  	[tilespmem:s7], [sflag:$0x2] =	stream.linear.gather @!p1 [hbm4b:s3+s9], $0x8000, $0x38;
	[tilespmem:$0x16800] =	vst v63  }
0x55: {  	s3 =	simm.s32 @!p0 $0x80;
	_ =	swait.ge @!p0 [sflag:s8], $0x8000  }
0x56: {  	s7 =	simm.s32 @!p0 $0x0;
	p1 =	sle.u32 s4, $0x3;
	[sflag:s8] =	ssyncset.done @!p0 $0x0  }
0x57: {  	p2 =	sle.u32 @!p1 s4, $0x4;
	[sflag:s8] =	ssyncadd.s32 @!p0 $0xFFFF8000;
	s8 =	simm.s32 @!p0 $0x10200  }
0x58: {  	[spmem:s2] =	stream.indirect.scatter.add.f32 @!p0 [tilespmem:s7], [sflag:$0x3], $0x80, s8, s3, $0xb8;
	[tilespmem:$0x16800] =	vst v63  }
0x59: {  	p2 =	por p2, p1;
	s7 =	simm.s32 @!p0 $0x10280;
	s8 =	simm.s32 @!p0 $0x4000  }
0x5a: {  	[spmem:s2] =	stream.indirect.scatter.add.f32 @!p0 [tilespmem:s8], [sflag:$0x3], $0x80, s7, s3, $0xb8;
	[tilespmem:$0x16800] =	vst v63  }
0x5b: {  	s3 =	simm.s32 @!p2 $0x3  }
0x5c: {  	_ =	swait.ge @!p2 [sflag:s3], $0x4000  }
0x5d: {  	[sflag:s3] =	ssyncset.done @!p2 $0x0  }
0x5e: {  	s29 =	simm.s32 $0x4000;
	p3 =	sne.s32 s12, $0x4000;
	[sflag:s3] =	ssyncadd.s32 @!p2 $0xFFFFC000  }
0x5f: {  	s28 =	simm.s32 $0x6;
	s24 =	simm.s32 $0x10580;
	_ =	swait.ge @!p2 [sflag:s3], $0x4000  }
0x60: {  	s9 =	simm.s32 @!p1 $0x8000;
	s10 =	simm.s32 @!p2 $0x0;
	[sflag:s3] =	ssyncset.done @!p2 $0x0  }
.Ltmp2:
0x61: {  	[sflag:s3] =	ssyncadd.s32 @!p2 $0xFFFFC000;
	s3 =	sadd.s32 @!p2 $0x0, s16;
	(pc) =	sbr.rel @!p3 .LBB2_6-.Ltmp2, $4  }
0x62: {  	[tilespmem:s10], [sflag:$0x1] =	stream.linear.gather @!p2 [hbm4b:s3+s10], $0x8000, $0x38;
	[tilespmem:$0x16800] =	vst v63  }
0x63: {  	s8 =	simm.s32 @!p1 $0x10300;
	p0 =	sle.u32 s4, $0x4;
	s10 =	simm.s32 @!p1 $0x2  }
0x64: {  	s7 =	simm.s32 @!p1 $0x80;
	p4 =	sle.u32 @!p0 s4, $0x5;
	_ =	swait.ge @!p1 [sflag:s10], $0x8000  }
0x65: {  	s3 =	simm.s32 $0x5;
	p2 =	por $0x1, $0x1;
	[sflag:s10] =	ssyncset.done @!p1 $0x0  }
.LBB2_7:
0x66: {  	p4 =	por p4, p0;
	[sflag:s10] =	ssyncadd.s32 @!p1 $0xFFFF8000  }
0x67: {  	s5 =	smov.u32 s31;
	s31 =	smov.u32 s29;
	s29 =	sadd.s32 $0x2000, s29  }
0x68: {  	[spmem:s2] =	stream.indirect.scatter.add.f32 @!p1 [tilespmem:s9], [sflag:$0x4], $0x80, s8, s7, $0xb8;
	[tilespmem:$0x16800] =	vst v63  }
0x69: {  	p3 =	sne.s32 s12, s29;
	s8 =	simm.s32 @!p4 $0x4;
	s9 =	simm.s32 @!p1 $0xC000  }
0x6a: {  	[spmem:s2] =	stream.indirect.scatter.add.f32 @!p1 [tilespmem:s9], [sflag:$0x4], $0x80, s23, s7, $0xb8;
	[tilespmem:$0x16800] =	vst v63  }
0x6b: {  	s23 =	smov.u32 s24;
	_ =	swait.ge @!p4 [sflag:s8], $0x4000  }
0x6c: {  	[sflag:s8] =	ssyncset.done @!p4 $0x0  }
0x6d: {  	[sflag:s8] =	ssyncadd.s32 @!p4 $0xFFFFC000  }
0x6e: {  	_ =	swait.ge @!p4 [sflag:s8], $0x4000  }
0x6f: {  	s7 =	simm.s32 @!p4 $0x8000;
	s9 =	simm.s32 @!p0 $0x1;
	[sflag:s8] =	ssyncset.done @!p4 $0x0  }
0x70: {  	s10 =	simm.s32 @!p4 $0x0;
	[sflag:s8] =	ssyncadd.s32 @!p4 $0xFFFFC000;
	s8 =	sadd.s32 @!p4 s5, s15  }
0x71: {  	[tilespmem:s7], [sflag:$0x2] =	stream.linear.gather @!p4 [hbm4b:s8+s10], $0x8000, $0x38;
	[tilespmem:$0x16800] =	vst v63  }
0x72: {  	s7 =	simm.s32 @!p0 $0x80;
	_ =	swait.ge @!p0 [sflag:s9], $0x8000  }
0x73: {  	p1 =	sge.u32 s3, s4;
	s8 =	simm.s32 @!p0 $0x0;
	[sflag:s9] =	ssyncset.done @!p0 $0x0  }
0x74: {  	s3 =	sadd.s32 @!p0 $0xFFFFFE80, s24;
	p4 =	sge.u32 @!p1 s28, s4;
	[sflag:s9] =	ssyncadd.s32 @!p0 $0xFFFF8000  }
0x75: {  	[spmem:s2] =	stream.indirect.scatter.add.f32 @!p0 [tilespmem:s8], [sflag:$0x3], $0x80, s3, s7, $0xb8;
	[tilespmem:$0x16800] =	vst v63  }
0x76: {  	p4 =	por p4, p1;
	s3 =	sadd.s32 @!p0 $0xFFFFFF00, s24;
	s8 =	simm.s32 @!p0 $0x4000  }
0x77: {  	[spmem:s2] =	stream.indirect.scatter.add.f32 @!p0 [tilespmem:s8], [sflag:$0x3], $0x80, s3, s7, $0xb8;
	[tilespmem:$0x16800] =	vst v63  }
0x78: {  	s3 =	simm.s32 @!p4 $0x3;
	s8 =	sadd.s32 @!p1 $0xFFFFFF80, s24;
	s7 =	simm.s32 @!p1 $0x80  }
0x79: {  	s9 =	simm.s32 @!p1 $0x8000;
	_ =	swait.ge @!p4 [sflag:s3], $0x4000  }
0x7a: {  	s30 =	sadd.s32 $0x2, s28;
	[sflag:s3] =	ssyncset.done @!p4 $0x0  }
0x7b: {  	s11 =	sadd.s32 $0xFFFFFFFE, s30;
	[sflag:s3] =	ssyncadd.s32 @!p4 $0xFFFFC000  }
0x7c: {  	s10 =	simm.s32 @!p1 $0x2;
	s28 =	smov.u32 s30;
	_ =	swait.ge @!p4 [sflag:s3], $0x4000  }
.Ltmp3:
0x7d: {  	p0 =	sge.u32 s11, s4;
	[sflag:s3] =	ssyncset.done @!p4 $0x0;
	(pc) =	sbr.rel @p3 .LBB2_7-.Ltmp3, $4  }
0x7e: {  	[sflag:s3] =	ssyncadd.s32 @!p4 $0xFFFFC000;
	s3 =	sadd.s32 @!p4 s5, s16;
	s5 =	simm.s32 @!p4 $0x0  }
0x7f: {  	[tilespmem:s5], [sflag:$0x1] =	stream.linear.gather @!p4 [hbm4b:s3+s5], $0x8000, $0x38;
	[tilespmem:$0x16800] =	vst v63  }
0x80: {  	s3 =	sadd.s32 $0xFFFFFFFF, s30;
	s5 =	sadd.s32 $0x200, s24;
	_ =	swait.ge @!p1 [sflag:s10], $0x8000  }
0x81: {  	p4 =	sge.u32 @!p0 s3, s4;
	s24 =	smov.u32 s5;
	[sflag:s10] =	ssyncset.done @!p1 $0x0  }
0x82: {  	s11 =	smov.u32 s23  }
0x83: {  	s24 =	smov.u32 s31;
	s23 =	smov.u32 s5;
	s28 =	smov.u32 s30  }
.LBB2_9:
0x84: {  	p1 =	por p1, !p2  }
0x85: {  	[sflag:s10] =	ssyncadd.s32 @!p1 $0xFFFF8000  }
0x86: {  	[spmem:s2] =	stream.indirect.scatter.add.f32 @!p1 [tilespmem:s9], [sflag:$0x4], $0x80, s8, s7, $0xb8;
	[tilespmem:$0x16800] =	vst v63  }
0x87: {  	p2 =	por p4, p0;
	s8 =	simm.s32 @!p1 $0xC000  }
0x88: {  	[spmem:s2] =	stream.indirect.scatter.add.f32 @!p1 [tilespmem:s8], [sflag:$0x4], $0x80, s11, s7, $0xb8;
	[tilespmem:$0x16800] =	vst v63  }
0x89: {  	s7 =	simm.s32 @!p2 $0x4  }
0x8a: {  	_ =	swait.ge @!p2 [sflag:s7], $0x4000  }
0x8b: {  	[sflag:s7] =	ssyncset.done @!p2 $0x0  }
0x8c: {  	[sflag:s7] =	ssyncadd.s32 @!p2 $0xFFFFC000  }
0x8d: {  	_ =	swait.ge @!p2 [sflag:s7], $0x4000  }
0x8e: {  	s9 =	simm.s32 @!p2 $0x0;
	[sflag:s7] =	ssyncset.done @!p2 $0x0  }
0x8f: {  	s8 =	simm.s32 @!p2 $0x8000;
	[sflag:s7] =	ssyncadd.s32 @!p2 $0xFFFFC000;
	s7 =	sadd.s32 @!p2 s24, s15  }
0x90: {  	[tilespmem:s8], [sflag:$0x2] =	stream.linear.gather @!p2 [hbm4b:s7+s9], $0x8000, $0x38;
	[tilespmem:$0x16800] =	vst v63  }
0x91: {  	s7 =	simm.s32 @!p0 $0x1  }
0x92: {  	p1 =	sge.u32 s3, s4;
	_ =	swait.ge @!p0 [sflag:s7], $0x8000  }
0x93: {  	s3 =	simm.s32 @!p0 $0x0;
	s8 =	simm.s32 @!p0 $0x80;
	[sflag:s7] =	ssyncset.done @!p0 $0x0  }
0x94: {  	p2 =	sge.u32 @!p1 s28, s4;
	[sflag:s7] =	ssyncadd.s32 @!p0 $0xFFFF8000;
	s7 =	sadd.s32 @!p0 $0xFFFFFE80, s23  }
0x95: {  	[spmem:s2] =	stream.indirect.scatter.add.f32 @!p0 [tilespmem:s3], [sflag:$0x3], $0x80, s7, s8, $0xb8;
	[tilespmem:$0x16800] =	vst v63  }
0x96: {  	p2 =	por p2, p1;
	s3 =	sadd.s32 @!p0 $0xFFFFFF00, s23;
	s7 =	simm.s32 @!p0 $0x4000  }
0x97: {  	[spmem:s2] =	stream.indirect.scatter.add.f32 @!p0 [tilespmem:s7], [sflag:$0x3], $0x80, s3, s8, $0xb8;
	[tilespmem:$0x16800] =	vst v63  }
0x98: {  	s3 =	simm.s32 @!p2 $0x3  }
0x99: {  	_ =	swait.ge @!p2 [sflag:s3], $0x4000  }
0x9a: {  	[sflag:s3] =	ssyncset.done @!p2 $0x0  }
0x9b: {  	[sflag:s3] =	ssyncadd.s32 @!p2 $0xFFFFC000  }
0x9c: {  	_ =	swait.ge @!p2 [sflag:s3], $0x4000  }
0x9d: {  	s7 =	simm.s32 @!p1 $0x2;
	[sflag:s3] =	ssyncset.done @!p2 $0x0  }
0x9e: {  	s8 =	simm.s32 @!p2 $0x0;
	[sflag:s3] =	ssyncadd.s32 @!p2 $0xFFFFC000;
	s3 =	sadd.s32 @!p2 s24, s16  }
0x9f: {  	[tilespmem:s8], [sflag:$0x1] =	stream.linear.gather @!p2 [hbm4b:s3+s8], $0x8000, $0x38;
	[tilespmem:$0x16800] =	vst v63  }
0xa0: {  	_ =	swait.ge @!p1 [sflag:s7], $0x8000  }
0xa1: {  	s9 =	simm.s32 @!p1 $0x8000;
	[sflag:s7] =	ssyncset.done @!p1 $0x0  }
0xa2: {  	s3 =	sadd.s32 @!p1 $0xFFFFFF80, s23;
	s8 =	simm.s32 @!p1 $0x80;
	[sflag:s7] =	ssyncadd.s32 @!p1 $0xFFFF8000  }
0xa3: {  	[spmem:s2] =	stream.indirect.scatter.add.f32 @!p1 [tilespmem:s9], [sflag:$0x4], $0x80, s3, s8, $0xb8;
	[tilespmem:$0x16800] =	vst v63  }
0xa4: {  	s7 =	simm.s32 @!p1 $0xC000;
	s3 =	sadd.s32 $0x2, s28  }
0xa5: {  	[spmem:s2] =	stream.indirect.scatter.add.f32 @!p1 [tilespmem:s7], [sflag:$0x4], $0x80, s23, s8, $0xb8;
	[tilespmem:$0x16800] =	vst v63  }
0xa6: {  	p0 =	sge.u32 s30, s4;
	s7 =	sadd.s32 $0xFFFFFFFF, s3  }
0xa7: {  	p1 =	sge.u32 @!p0 s7, s4  }
0xa8: {  	p1 =	por p1, p0  }
0xa9: {  	s8 =	simm.s32 @!p1 $0x4  }
0xaa: {  	_ =	swait.ge @!p1 [sflag:s8], $0x4000  }
0xab: {  	[sflag:s8] =	ssyncset.done @!p1 $0x0  }
0xac: {  	[sflag:s8] =	ssyncadd.s32 @!p1 $0xFFFFC000  }
0xad: {  	_ =	swait.ge @!p1 [sflag:s8], $0x4000  }
0xae: {  	s9 =	simm.s32 @!p1 $0x0;
	[sflag:s8] =	ssyncset.done @!p1 $0x0  }
0xaf: {  	s10 =	simm.s32 @!p1 $0x8000;
	[sflag:s8] =	ssyncadd.s32 @!p1 $0xFFFFC000;
	s8 =	sadd.s32 @!p1 s29, s14  }
0xb0: {  	[tilespmem:s10], [sflag:$0x2] =	stream.linear.gather @!p1 [hbm4b:s8+s9], $0x8000, $0x38;
	[tilespmem:$0x16800] =	vst v63  }
0xb1: {  	s8 =	simm.s32 @!p0 $0x1  }
0xb2: {  	_ =	swait.ge @!p0 [sflag:s8], $0x8000  }
0xb3: {  	s9 =	simm.s32 @!p0 $0x80;
	[sflag:s8] =	ssyncset.done @!p0 $0x0  }
0xb4: {  	s10 =	simm.s32 @!p0 $0x0;
	[sflag:s8] =	ssyncadd.s32 @!p0 $0xFFFF8000;
	s8 =	sadd.s32 @!p0 $0x80, s5  }
0xb5: {  	[spmem:s2] =	stream.indirect.scatter.add.f32 @!p0 [tilespmem:s10], [sflag:$0x3], $0x80, s8, s9, $0xb8;
	[tilespmem:$0x16800] =	vst v63  }
0xb6: {  	s8 =	sadd.s32 @!p0 $0x100, s5;
	s10 =	simm.s32 @!p0 $0x4000  }
0xb7: {  	[spmem:s2] =	stream.indirect.scatter.add.f32 @!p0 [tilespmem:s10], [sflag:$0x3], $0x80, s8, s9, $0xb8;
	[tilespmem:$0x16800] =	vst v63  }
0xb8: {  	p0 =	sge.u32 s7, s4  }
0xb9: {  	p1 =	sge.u32 @!p0 s3, s4  }
0xba: {  	p1 =	por p1, p0  }
0xbb: {  	s3 =	simm.s32 @!p1 $0x3  }
0xbc: {  	_ =	swait.ge @!p1 [sflag:s3], $0x4000  }
0xbd: {  	[sflag:s3] =	ssyncset.done @!p1 $0x0  }
0xbe: {  	[sflag:s3] =	ssyncadd.s32 @!p1 $0xFFFFC000  }
0xbf: {  	_ =	swait.ge @!p1 [sflag:s3], $0x4000  }
0xc0: {  	[sflag:s3] =	ssyncset.done @!p1 $0x0  }
0xc1: {  	s7 =	simm.s32 @!p1 $0x0;
	[sflag:s3] =	ssyncadd.s32 @!p1 $0xFFFFC000;
	s3 =	sadd.s32 @!p1 s29, s13  }
0xc2: {  	[tilespmem:s7], [sflag:$0x1] =	stream.linear.gather @!p1 [hbm4b:s3+s7], $0x8000, $0x38;
	[tilespmem:$0x16800] =	vst v63  }
0xc3: {  	s3 =	simm.s32 @!p0 $0x2  }
0xc4: {  	_ =	swait.ge @!p0 [sflag:s3], $0x8000  }
0xc5: {  	s8 =	simm.s32 @!p0 $0x8000;
	[sflag:s3] =	ssyncset.done @!p0 $0x0  }
0xc6: {  	s7 =	simm.s32 @!p0 $0x80;
	[sflag:s3] =	ssyncadd.s32 @!p0 $0xFFFF8000;
	s3 =	sadd.s32 @!p0 $0x180, s5  }
0xc7: {  	[spmem:s2] =	stream.indirect.scatter.add.f32 @!p0 [tilespmem:s8], [sflag:$0x4], $0x80, s3, s7, $0xb8;
	[tilespmem:$0x16800] =	vst v63  }
0xc8: {  	s3 =	sadd.s32 $0x200, s23;
	s8 =	simm.s32 @!p0 $0xC000  }
0xc9: {  	[spmem:s2] =	stream.indirect.scatter.add.f32 @!p0 [tilespmem:s8], [sflag:$0x4], $0x80, s3, s7, $0xb8;
	[tilespmem:$0x16800] =	vst v63  }
0xca: {  	_ =	swait.ge [sflag:s25], $0x4000  }
0xcb: {  	[sflag:s25] =	ssyncset.done $0x0  }
0xcc: {  	[sflag:s25] =	ssyncadd.s32 $0xFFFFC000  }
0xcd: {  	_ =	swait.ge [sflag:s25], $0x4000  }
0xce: {  	[sflag:s25] =	ssyncset.done $0x0  }
0xcf: {  	[sflag:s25] =	ssyncadd.s32 $0xFFFFC000  }
0xd0: {  	_ =	swait.ge [sflag:s0], $0x4000  }
0xd1: {  	[sflag:s0] =	ssyncset.done $0x0  }
0xd2: {  	[sflag:s0] =	ssyncadd.s32 $0xFFFFC000  }
0xd3: {  	_ =	swait.ge [sflag:s0], $0x4000  }
0xd4: {  	[sflag:s0] =	ssyncset.done $0x0  }
0xd5: {  	[sflag:s0] =	ssyncadd.s32 $0xFFFFC000  }
0xd6: {  	[bflag:$0x0] =	sbarrier.arrive $0xFFFF  }
0xd7: {  	[tilespmem:s19], [sflag:$0x5] =	stream.linear.gather [spmem:s6], $0x2000, $0x38;
	[tilespmem:$0x16800] =	vst v63  }
0xd8: {  	_ =	swait.ge [sflag:s18], $0x2000  }
0xd9: {  	[sflag:s18] =	ssyncset.done $0x0  }
0xda: {  	s23 =	simm.s32 $0x0;
	s29 =	rddreg [dreg:$0x6];
	[sflag:s18] =	ssyncadd.s32 $0xFFFFE000  }
0xdb: {  	[hbm4b:s29+s23] =	stream.linear.scatter [tilespmem:s19], [sflag:$0x5], $0x2000, $0x38;
	[tilespmem:$0x16800] =	vst v63  }
0xdc: {  	_ =	swait.ge [sflag:s18], $0x2000  }
0xdd: {  	s1 =	sadd.s32 $0x1, s1;
	s31 =	rddreg [dreg:$0x7]  }
0xde: {  	p0 =	sne.s32 s1, s31  }
.Ltmp4:
0xdf: {  	_ = 	snop;
	(pc) =	sbr.rel @p0 .LBB2_1-.Ltmp4, $4  }
.Ltmp5:
0xe0: {  	_ = 	snop;
	(pc) =	sbr.rel @!p0 .LBB2_10-.Ltmp5, $4  }
0xe1: {  	_ = 	snop  }
0xe2: {  	[sflag:s18] =	ssyncset.done $0x0  }
0xe3: {  	[sflag:s18] =	ssyncadd.s32 $0xFFFFE000  }
0xe4: {  	_ = 	snop  }
.LBB2_4:
.Ltmp6:
0xe5: {  	(pc) =	sbr.rel .LBB2_9-.Ltmp6, $2  }
0xe6: {  	_ =	sdelay $0x2  }
0xe7: {  	s29 =	simm.s32 $0x2000  }
.LBB2_6:
.Ltmp7:
0xe8: {  	(pc) =	sbr.rel .LBB2_9-.Ltmp7, $2  }
0xe9: {  	_ =	sdelay $0x2  }
0xea: {  	s24 =	simm.s32 $0x2000;
	s11 =	simm.s32 $0x10380;
	s23 =	simm.s32 $0x10580  }
.LBB2_10:
0xeb: {  	_ =	sfence.sel $0x180000  }
0xec: {  	[bflag:$0x0] =	sbarrier.arrive $0xFFFF  }
0xed: {  	_ =	strace $0x90000047  }
0xee: {  	s0 =	stileid.u32;
	[bflag:$0x2] =	sbarrier.arrive $0xFFFF  }
0xef: {  	p0 =	sne.s32 s0, $0x0;
	s0 =	rddreg [dreg:$0x3]  }
0xf0: {  	s0 =	sadd.s32 @!p0 $0x100000, s0  }
0xf1: {  	[sflag:s0] =	ssyncadd.tile.s32 @!p0 $0x1;
	_ =	shalt  }
.Lfunc_end2:
_tile_overlayer_lowered:
.L_overlay_start_2:
0xf2: {  	(tag) =	ssettag $0x2  }
0xf3: {  	s0 =	rddreg [dreg:$0x0];
	s2 =	stileid.u32  }
0xf4: {  	s1 =	rddreg [dreg:$0x1];
	p0 =	sne.s32 s2, $0x0  }
0xf5: {  	s3 =	rddreg [dreg:$0x2];
	[bflag:$0x3] =	sbarrier.arrive $0xFFFF;
	s2 =	simm.s32 @!p0 $0x1C05  }
0xf6: {  	[timem:s3], [sflag:s2] =	dma.local @!p0 [hbm:s0], s1  }
0xf7: {  	s0 =	simm.s32 @!p0 $0x5  }
0xf8: {  	_ =	swait.ge @!p0 [sflag:s0], s1  }
0xf9: {  	s1 =	ssub.s32 @!p0 $0x0, s1;
	[sflag:s0] =	ssyncset.done @!p0 $0x0  }
0xfa: {  	[sflag:s0] =	ssyncadd.s32 @!p0 s1  }
0xfb: {  	[bflag:$0x3] =	sbarrier.arrive $0xFFFF  }
0xfc: {  	_ =	shalt  }

</sc_bundles>
